<compile_context>
chip_gen: v7x
topology: tpu7x:2x2x1
jax: 0.10.2.dev20260603
libtpu: 0.0.44.dev20260713+nightly
codegen_flags: <defaults>
</compile_context>

<pallas_src>
import functools

import jax
import jax.numpy as jnp
from jax import lax
from jax.experimental import pallas as pl
from jax.experimental.pallas import tpu as pltpu
from jax.experimental.pallas import tpu_sc as plsc

_NC = 2
_NS = 16
_NW = _NC * _NS
_LANES = 16
_IDX_CHUNK = 128

_BATCH = 16384
_FACTORS = 32
_PACK = 128 // _FACTORS
_SUPER = _PACK * _FACTORS
_B_PER_W = _BATCH // _NW
_N_CHUNKS = _B_PER_W // _IDX_CHUNK
_GP_CHUNK = _IDX_CHUNK // _LANES


def _gmf_body(usup, isup, uqo, iqo, utab, itab, wv_hbm, bv_hbm, out,
              uidx, iidx, uq, iq, urows, irows, wv, bv, outv, sem):
    wid = lax.axis_index("s") * _NC + lax.axis_index("c")

    pltpu.sync_copy(usup.at[pl.ds(wid * _N_CHUNKS, _N_CHUNKS)], uidx)
    pltpu.sync_copy(isup.at[pl.ds(wid * _N_CHUNKS, _N_CHUNKS)], iidx)
    pltpu.sync_copy(uqo.at[pl.ds(wid * _B_PER_W, _B_PER_W)], uq)
    pltpu.sync_copy(iqo.at[pl.ds(wid * _B_PER_W, _B_PER_W)], iq)
    pltpu.sync_copy(wv_hbm, wv)
    pltpu.sync_copy(bv_hbm, bv)

    w_lo = wv[pl.ds(0, _LANES)]
    w_hi = wv[pl.ds(_LANES, _LANES)]
    bias = bv[...]
    lane = lax.iota(jnp.int32, _LANES)

    def half(h, carry):
        hbase = h * (_B_PER_W // 2)
        copies = []
        for c2 in range(_N_CHUNKS // 2):
            c = h * (_N_CHUNKS // 2) + c2
            sl = pl.ds(c2 * _IDX_CHUNK, _IDX_CHUNK)
            copies.append(
                pltpu.async_copy(utab.at[uidx.at[c]], urows.at[sl], sem))
            copies.append(
                pltpu.async_copy(itab.at[iidx.at[c]], irows.at[sl], sem))
        for cp in copies:
            cp.wait()

        def group(g, carry2):
            lbase = g * _LANES
            base = hbase + lbase
            uqv = uq[pl.ds(base, _LANES)]
            iqv = iq[pl.ds(base, _LANES)]
            acc = jnp.zeros((_LANES,), jnp.float32)
            for r in range(_LANES):
                row = lbase + r
                qu = uqv[r]
                qi = iqv[r]
                u_lo = urows[row, pl.ds(qu, _LANES)]
                u_hi = urows[row, pl.ds(qu + _LANES, _LANES)]
                i_lo = irows[row, pl.ds(qi, _LANES)]
                i_hi = irows[row, pl.ds(qi + _LANES, _LANES)]
                p = u_lo * i_lo * w_lo + u_hi * i_hi * w_hi
                acc = jnp.where(lane == r, jnp.sum(p), acc)
            logits = acc + bias
            outv[pl.ds(base, _LANES)] = 1.0 / (1.0 + jnp.exp(-logits))
            return carry2

        lax.fori_loop(0, _B_PER_W // 2 // _LANES, group, 0, unroll=False)
        return carry

    lax.fori_loop(0, 2, half, 0, unroll=False)

    pltpu.sync_copy(outv, out.at[pl.ds(wid * _B_PER_W, _B_PER_W)])


_gmf_call = functools.partial(
    pl.kernel,
    out_type=jax.ShapeDtypeStruct((_BATCH,), jnp.float32),
    mesh=plsc.VectorSubcoreMesh(core_axis_name="c", subcore_axis_name="s"),
    compiler_params=pltpu.CompilerParams(
        needs_layout_passes=False, use_tc_tiling_on_sc=True),
    scratch_types=[
        pltpu.VMEM((_N_CHUNKS, _IDX_CHUNK), jnp.int32),
        pltpu.VMEM((_N_CHUNKS, _IDX_CHUNK), jnp.int32),
        pltpu.VMEM((_B_PER_W,), jnp.int32),
        pltpu.VMEM((_B_PER_W,), jnp.int32),
        pltpu.VMEM((_B_PER_W // 2, _SUPER), jnp.float32),
        pltpu.VMEM((_B_PER_W // 2, _SUPER), jnp.float32),
        pltpu.VMEM((_FACTORS,), jnp.float32),
        pltpu.VMEM((_LANES,), jnp.float32),
        pltpu.VMEM((_B_PER_W,), jnp.float32),
        pltpu.SemaphoreType.DMA,
    ],
)(_gmf_body)


_N_TAB = 1000000
_UBLK = 16384
_QBLK = _UBLK // _PACK
_N_PBLK = -(-_N_TAB // _UBLK)
_SROWS = _N_PBLK * _QBLK


def _pack_body(u_ref, i_ref, uo_ref, io_ref):
    for src, dst in ((u_ref, uo_ref), (i_ref, io_ref)):
        dst[...] = jnp.concatenate(
            [src[:, q * _QBLK:(q + 1) * _QBLK].T for q in range(_PACK)],
            axis=1)


_pack_tables = pl.pallas_call(
    _pack_body,
    grid=(_N_PBLK,),
    in_specs=[
        pl.BlockSpec((_FACTORS, _UBLK), lambda i: (0, i)),
        pl.BlockSpec((_FACTORS, _UBLK), lambda i: (0, i)),
    ],
    out_specs=[
        pl.BlockSpec((_QBLK, _SUPER), lambda i: (i, 0)),
        pl.BlockSpec((_QBLK, _SUPER), lambda i: (i, 0)),
    ],
    out_shape=[
        jax.ShapeDtypeStruct((_SROWS, _SUPER), jnp.float32),
        jax.ShapeDtypeStruct((_SROWS, _SUPER), jnp.float32),
    ],
)


@jax.jit
def kernel(user_ids, item_ids, user_table, item_table, W, b):
    uids = user_ids.astype(jnp.int32)
    iids = item_ids.astype(jnp.int32)
    usup = ((uids // _UBLK) * _QBLK + uids % _QBLK
            ).reshape(_NW * _N_CHUNKS, _IDX_CHUNK)
    isup = ((iids // _UBLK) * _QBLK + iids % _QBLK
            ).reshape(_NW * _N_CHUNKS, _IDX_CHUNK)
    uqo = ((uids % _UBLK) // _QBLK) * _FACTORS
    iqo = ((iids % _UBLK) // _QBLK) * _FACTORS
    ut4, it4 = _pack_tables(user_table.T, item_table.T)
    wv = W.reshape(_FACTORS).astype(jnp.float32)
    bv = jnp.broadcast_to(b.reshape(()), (_LANES,)).astype(jnp.float32)
    out = _gmf_call(usup, isup, uqo, iqo, ut4, it4, wv, bv)
    return out.reshape(_BATCH, 1)

# --- scband reference (transcript-rebuilt; emitter-appended) ---
"""Pipeline reference for scband-generalized-matrix-factorization-28750511079508 (READ-ONLY COPY).

The authoritative reference and input builder live on the scoring server;
editing this copy changes nothing except your own understanding.
"""

import jax, jax.numpy as jnp
import numpy as np

N_USERS = 1000000
N_ITEMS = 1000000
FACTORS = 32
BATCH = 16384

def setup_inputs(seed: int = 0) -> dict:
    key = jax.random.key(seed)
    k1, k2, k3, k4, k5 = jax.random.split(key, 5)
    user_ids = jax.random.randint(k1, (BATCH,), 0, N_USERS, dtype=jnp.int64 if jax.config.jax_enable_x64 else jnp.int32)
    item_ids = jax.random.randint(k2, (BATCH,), 0, N_ITEMS, dtype=jnp.int64 if jax.config.jax_enable_x64 else jnp.int32)
    user_table = jax.random.normal(k3, (N_USERS, FACTORS), dtype=jnp.float32) * 0.05
    item_table = jax.random.normal(k4, (N_ITEMS, FACTORS), dtype=jnp.float32) * 0.05
    # Dense(1) with lecun_uniform init
    limit = np.sqrt(3.0 / FACTORS)
    W = jax.random.uniform(k5, (FACTORS, 1), dtype=jnp.float32, minval=-limit, maxval=limit)
    b = jnp.zeros((1,), dtype=jnp.float32)
    return {"user_ids": user_ids, "item_ids": item_ids, "user_table": user_table, "item_table": item_table, "W": W, "b": b}

def reference(user_ids, item_ids, user_table, item_table, W, b):
    # user/item embedding lookups (gather)
    user_z = jnp.take(user_table, user_ids, axis=0)  # [B, factors]
    item_z = jnp.take(item_table, item_ids, axis=0)  # [B, factors]
    # elementwise multiply (GMF interaction)
    z = user_z * item_z
    # Dense(1, activation='sigmoid') prediction head
    logits = z @ W + b
    return jax.nn.sigmoid(logits)  # [B, 1]

if __name__ == "__main__":
    import jax
    _d = setup_inputs()
    print(jax.jit(kernel)(*tuple(_d.values())))

</pallas_src>

<mosaic_0001>
#map = affine_map<(d0, d1) -> (0, 0)>
#map1 = affine_map<(d0, d1) -> (0)>
module attributes {stable_mosaic.version = 14 : i64} {
  func.func @_gmf_body(%arg0: i32, %arg1: i32, %arg2: memref<128x128xi32, #tpu.memory_space<hbm>>, %arg3: memref<128x128xi32, #tpu.memory_space<hbm>>, %arg4: memref<16384xi32, #tpu.memory_space<hbm>>, %arg5: memref<16384xi32, #tpu.memory_space<hbm>>, %arg6: memref<253952x128xf32, #tpu.memory_space<hbm>>, %arg7: memref<253952x128xf32, #tpu.memory_space<hbm>>, %arg8: memref<32xf32, #tpu.memory_space<hbm>>, %arg9: memref<16xf32, #tpu.memory_space<hbm>>, %arg10: memref<16384xf32, #tpu.memory_space<hbm>>, %arg11: memref<4x128xi32, #tpu.memory_space<vmem>>, %arg12: memref<4x128xi32, #tpu.memory_space<vmem>>, %arg13: memref<512xi32, #tpu.memory_space<vmem>>, %arg14: memref<512xi32, #tpu.memory_space<vmem>>, %arg15: memref<256x128xf32, #tpu.memory_space<vmem>>, %arg16: memref<256x128xf32, #tpu.memory_space<vmem>>, %arg17: memref<32xf32, #tpu.memory_space<vmem>>, %arg18: memref<16xf32, #tpu.memory_space<vmem>>, %arg19: memref<512xf32, #tpu.memory_space<vmem>>, %arg20: memref<!tpu.dma_semaphore, #tpu.memory_space<semaphore_mem>>) attributes {dimension_semantics = [#tpu.dimension_semantics<core_parallel>, #tpu.dimension_semantics<subcore_parallel>], iteration_bounds = array<i64: 2, 16>, scalar_prefetch = 0 : i64, scratch_operands = 10 : i64, tpu.core_type = #tpu.core_type<sc_vector_subcore>, window_params = [{transform_indices = #map}, {transform_indices = #map}, {transform_indices = #map1}, {transform_indices = #map1}, {transform_indices = #map}, {transform_indices = #map}, {transform_indices = #map1}, {transform_indices = #map1}, {transform_indices = #map1}]} {
    %mul3A = arith.constant 2 : i32
    %mul3A_0 = arith.muli %arg1, %mul3A : i32
    %add3A = arith.addi %mul3A_0, %arg0 : i32
    %mul3A_1 = arith.constant 4 : i32
    %mul3A_2 = arith.muli %add3A, %mul3A_1 : i32
    "tpu.region"() ({
      %run_scoped3A = tpu.sem_alloc : memref<!tpu.dma_semaphore, #tpu.memory_space<semaphore_mem>>
      %dma_start3A = arith.constant 0 : i32
      %dma_start3A_21 = tpu.memref_slice %arg2[%mul3A_2, %dma_start3A] : memref<128x128xi32, #tpu.memory_space<hbm>> -> memref<4x128xi32, #tpu.memory_space<hbm>>
      %dma_start3A_22 = arith.constant 0 : i32
      %dma_start3A_23 = tpu.memref_slice %arg2[%mul3A_2, %dma_start3A_22] : memref<128x128xi32, #tpu.memory_space<hbm>> -> memref<4x128xi32, #tpu.memory_space<hbm>>
      tpu.enqueue_dma source(%dma_start3A_23 : memref<4x128xi32, #tpu.memory_space<hbm>>) target(%arg11 : memref<4x128xi32, #tpu.memory_space<vmem>>) target_semaphore(%run_scoped3A : memref<!tpu.dma_semaphore, #tpu.memory_space<semaphore_mem>>)
      %dma_wait3A = arith.constant 0 : i32
      %dma_wait3A_24 = tpu.memref_slice %arg2[%mul3A_2, %dma_wait3A] : memref<128x128xi32, #tpu.memory_space<hbm>> -> memref<4x128xi32, #tpu.memory_space<hbm>>
      %dma_wait3A_25 = arith.constant 0 : i32
      %dma_wait3A_26 = tpu.memref_slice %arg2[%mul3A_2, %dma_wait3A_25] : memref<128x128xi32, #tpu.memory_space<hbm>> -> memref<4x128xi32, #tpu.memory_space<hbm>>
      tpu.wait_dma2 semaphore(%run_scoped3A : memref<!tpu.dma_semaphore, #tpu.memory_space<semaphore_mem>>) src(%dma_wait3A_26 : memref<4x128xi32, #tpu.memory_space<hbm>>) dst(%arg11 : memref<4x128xi32, #tpu.memory_space<vmem>>)
      tpu.yield
    }) : () -> ()
    %mul3A_3 = arith.constant 4 : i32
    %mul3A_4 = arith.muli %add3A, %mul3A_3 : i32
    "tpu.region"() ({
      %run_scoped3A = tpu.sem_alloc : memref<!tpu.dma_semaphore, #tpu.memory_space<semaphore_mem>>
      %dma_start3A = arith.constant 0 : i32
      %dma_start3A_21 = tpu.memref_slice %arg3[%mul3A_4, %dma_start3A] : memref<128x128xi32, #tpu.memory_space<hbm>> -> memref<4x128xi32, #tpu.memory_space<hbm>>
      %dma_start3A_22 = arith.constant 0 : i32
      %dma_start3A_23 = tpu.memref_slice %arg3[%mul3A_4, %dma_start3A_22] : memref<128x128xi32, #tpu.memory_space<hbm>> -> memref<4x128xi32, #tpu.memory_space<hbm>>
      tpu.enqueue_dma source(%dma_start3A_23 : memref<4x128xi32, #tpu.memory_space<hbm>>) target(%arg12 : memref<4x128xi32, #tpu.memory_space<vmem>>) target_semaphore(%run_scoped3A : memref<!tpu.dma_semaphore, #tpu.memory_space<semaphore_mem>>)
      %dma_wait3A = arith.constant 0 : i32
      %dma_wait3A_24 = tpu.memref_slice %arg3[%mul3A_4, %dma_wait3A] : memref<128x128xi32, #tpu.memory_space<hbm>> -> memref<4x128xi32, #tpu.memory_space<hbm>>
      %dma_wait3A_25 = arith.constant 0 : i32
      %dma_wait3A_26 = tpu.memref_slice %arg3[%mul3A_4, %dma_wait3A_25] : memref<128x128xi32, #tpu.memory_space<hbm>> -> memref<4x128xi32, #tpu.memory_space<hbm>>
      tpu.wait_dma2 semaphore(%run_scoped3A : memref<!tpu.dma_semaphore, #tpu.memory_space<semaphore_mem>>) src(%dma_wait3A_26 : memref<4x128xi32, #tpu.memory_space<hbm>>) dst(%arg12 : memref<4x128xi32, #tpu.memory_space<vmem>>)
      tpu.yield
    }) : () -> ()
    %mul3A_5 = arith.constant 512 : i32
    %mul3A_6 = arith.muli %add3A, %mul3A_5 : i32
    "tpu.region"() ({
      %run_scoped3A = tpu.sem_alloc : memref<!tpu.dma_semaphore, #tpu.memory_space<semaphore_mem>>
      %dma_start3A = tpu.memref_slice %arg4[%mul3A_6] : memref<16384xi32, #tpu.memory_space<hbm>> -> memref<512xi32, #tpu.memory_space<hbm>>
      %dma_start3A_21 = tpu.memref_slice %arg4[%mul3A_6] : memref<16384xi32, #tpu.memory_space<hbm>> -> memref<512xi32, #tpu.memory_space<hbm>>
      tpu.enqueue_dma source(%dma_start3A_21 : memref<512xi32, #tpu.memory_space<hbm>>) target(%arg13 : memref<512xi32, #tpu.memory_space<vmem>>) target_semaphore(%run_scoped3A : memref<!tpu.dma_semaphore, #tpu.memory_space<semaphore_mem>>)
      %dma_wait3A = tpu.memref_slice %arg4[%mul3A_6] : memref<16384xi32, #tpu.memory_space<hbm>> -> memref<512xi32, #tpu.memory_space<hbm>>
      %dma_wait3A_22 = tpu.memref_slice %arg4[%mul3A_6] : memref<16384xi32, #tpu.memory_space<hbm>> -> memref<512xi32, #tpu.memory_space<hbm>>
      tpu.wait_dma2 semaphore(%run_scoped3A : memref<!tpu.dma_semaphore, #tpu.memory_space<semaphore_mem>>) src(%dma_wait3A_22 : memref<512xi32, #tpu.memory_space<hbm>>) dst(%arg13 : memref<512xi32, #tpu.memory_space<vmem>>)
      tpu.yield
    }) : () -> ()
    %mul3A_7 = arith.constant 512 : i32
    %mul3A_8 = arith.muli %add3A, %mul3A_7 : i32
    "tpu.region"() ({
      %run_scoped3A = tpu.sem_alloc : memref<!tpu.dma_semaphore, #tpu.memory_space<semaphore_mem>>
      %dma_start3A = tpu.memref_slice %arg5[%mul3A_8] : memref<16384xi32, #tpu.memory_space<hbm>> -> memref<512xi32, #tpu.memory_space<hbm>>
      %dma_start3A_21 = tpu.memref_slice %arg5[%mul3A_8] : memref<16384xi32, #tpu.memory_space<hbm>> -> memref<512xi32, #tpu.memory_space<hbm>>
      tpu.enqueue_dma source(%dma_start3A_21 : memref<512xi32, #tpu.memory_space<hbm>>) target(%arg14 : memref<512xi32, #tpu.memory_space<vmem>>) target_semaphore(%run_scoped3A : memref<!tpu.dma_semaphore, #tpu.memory_space<semaphore_mem>>)
      %dma_wait3A = tpu.memref_slice %arg5[%mul3A_8] : memref<16384xi32, #tpu.memory_space<hbm>> -> memref<512xi32, #tpu.memory_space<hbm>>
      %dma_wait3A_22 = tpu.memref_slice %arg5[%mul3A_8] : memref<16384xi32, #tpu.memory_space<hbm>> -> memref<512xi32, #tpu.memory_space<hbm>>
      tpu.wait_dma2 semaphore(%run_scoped3A : memref<!tpu.dma_semaphore, #tpu.memory_space<semaphore_mem>>) src(%dma_wait3A_22 : memref<512xi32, #tpu.memory_space<hbm>>) dst(%arg14 : memref<512xi32, #tpu.memory_space<vmem>>)
      tpu.yield
    }) : () -> ()
    "tpu.region"() ({
      %run_scoped3A = tpu.sem_alloc : memref<!tpu.dma_semaphore, #tpu.memory_space<semaphore_mem>>
      tpu.enqueue_dma source(%arg8 : memref<32xf32, #tpu.memory_space<hbm>>) target(%arg17 : memref<32xf32, #tpu.memory_space<vmem>>) target_semaphore(%run_scoped3A : memref<!tpu.dma_semaphore, #tpu.memory_space<semaphore_mem>>)
      tpu.wait_dma2 semaphore(%run_scoped3A : memref<!tpu.dma_semaphore, #tpu.memory_space<semaphore_mem>>) src(%arg8 : memref<32xf32, #tpu.memory_space<hbm>>) dst(%arg17 : memref<32xf32, #tpu.memory_space<vmem>>)
      tpu.yield
    }) : () -> ()
    "tpu.region"() ({
      %run_scoped3A = tpu.sem_alloc : memref<!tpu.dma_semaphore, #tpu.memory_space<semaphore_mem>>
      tpu.enqueue_dma source(%arg9 : memref<16xf32, #tpu.memory_space<hbm>>) target(%arg18 : memref<16xf32, #tpu.memory_space<vmem>>) target_semaphore(%run_scoped3A : memref<!tpu.dma_semaphore, #tpu.memory_space<semaphore_mem>>)
      tpu.wait_dma2 semaphore(%run_scoped3A : memref<!tpu.dma_semaphore, #tpu.memory_space<semaphore_mem>>) src(%arg9 : memref<16xf32, #tpu.memory_space<hbm>>) dst(%arg18 : memref<16xf32, #tpu.memory_space<vmem>>)
      tpu.yield
    }) : () -> ()
    %get3A = arith.constant 0 : index
    %get3A_9 = tpu.vector_load %arg17[%get3A] {strides = array<i32>} : memref<32xf32, #tpu.memory_space<vmem>>, vector<16xf32>,
    %get3A_10 = arith.constant 16 : index
    %get3A_11 = tpu.vector_load %arg17[%get3A_10] {strides = array<i32>} : memref<32xf32, #tpu.memory_space<vmem>>, vector<16xf32>,
    %get3A_12 = arith.constant 0 : index
    %get3A_13 = tpu.vector_load %arg18[%get3A_12] {strides = array<i32>} : memref<16xf32, #tpu.memory_space<vmem>>, vector<16xf32>,
    %iota3A = tpu.iota {dimensions = array<i32: 0>} : vector<16xi32>
    %scan3A = arith.constant 0 : i32
    %scan3A_14 = arith.constant 0 : i32
    %scan3A_15 = arith.constant 2 : i32
    %scan3A_16 = arith.addi %scan3A_14, %scan3A_15 : i32
    %scan3A_17 = arith.constant 1 : i32
    scf.for %scan3A_21 = %scan3A_14 to %scan3A_16 step %scan3A_17  : i32 {
      %mul3A_22 = arith.constant 256 : i32
      %mul3A_23 = arith.muli %scan3A_21, %mul3A_22 : i32
      %mul3A_24 = arith.constant 2 : i32
      %mul3A_25 = arith.muli %scan3A_21, %mul3A_24 : i32
      %add3A_26 = arith.constant 0 : i32
      %add3A_27 = arith.addi %mul3A_25, %add3A_26 : i32
      %dma_start3A = arith.constant 0 : i32
      %dma_start3A_28 = arith.constant 0 : i32
      %dma_start3A_29 = tpu.memref_slice %arg15[%dma_start3A, %dma_start3A_28] : memref<256x128xf32, #tpu.memory_space<vmem>> -> memref<128x128xf32, #tpu.memory_space<vmem>>
      %dma_start3A_30 = arith.constant 0 : i32
      %dma_start3A_31 = tpu.memref_slice %arg11[%add3A_27, %dma_start3A_30] : memref<4x128xi32, #tpu.memory_space<vmem>> -> memref<1x128xi32, #tpu.memory_space<vmem>>
      %dma_start3A_32 = tpu.memref_squeeze %dma_start3A_31 : memref<1x128xi32, #tpu.memory_space<vmem>> -> memref<128xi32, #tpu.memory_space<vmem>>
      %dma_start3A_33 = arith.constant 0 : i32
      %dma_start3A_34 = arith.constant 0 : i32
      %dma_start3A_35 = tpu.memref_slice %arg6[%dma_start3A_33, %dma_start3A_34] : memref<253952x128xf32, #tpu.memory_space<hbm>> -> memref<253952x128xf32, #tpu.memory_space<hbm>>
      tpu.enqueue_indirect_dma source(%dma_start3A_35 : memref<253952x128xf32, #tpu.memory_space<hbm>>) target(%dma_start3A_29 : memref<128x128xf32, #tpu.memory_space<vmem>>) offsets(%dma_start3A_32 : memref<128xi32, #tpu.memory_space<vmem>>) semaphore(%arg20 : memref<!tpu.dma_semaphore, #tpu.memory_space<semaphore_mem>>)
      %dma_start3A_36 = arith.constant 0 : i32
      %dma_start3A_37 = arith.constant 0 : i32
      %dma_start3A_38 = tpu.memref_slice %arg16[%dma_start3A_36, %dma_start3A_37] : memref<256x128xf32, #tpu.memory_space<vmem>> -> memref<128x128xf32, #tpu.memory_space<vmem>>
      %dma_start3A_39 = arith.constant 0 : i32
      %dma_start3A_40 = tpu.memref_slice %arg12[%add3A_27, %dma_start3A_39] : memref<4x128xi32, #tpu.memory_space<vmem>> -> memref<1x128xi32, #tpu.memory_space<vmem>>
      %dma_start3A_41 = tpu.memref_squeeze %dma_start3A_40 : memref<1x128xi32, #tpu.memory_space<vmem>> -> memref<128xi32, #tpu.memory_space<vmem>>
      %dma_start3A_42 = arith.constant 0 : i32
      %dma_start3A_43 = arith.constant 0 : i32
      %dma_start3A_44 = tpu.memref_slice %arg7[%dma_start3A_42, %dma_start3A_43] : memref<253952x128xf32, #tpu.memory_space<hbm>> -> memref<253952x128xf32, #tpu.memory_space<hbm>>
      tpu.enqueue_indirect_dma source(%dma_start3A_44 : memref<253952x128xf32, #tpu.memory_space<hbm>>) target(%dma_start3A_38 : memref<128x128xf32, #tpu.memory_space<vmem>>) offsets(%dma_start3A_41 : memref<128xi32, #tpu.memory_space<vmem>>) semaphore(%arg20 : memref<!tpu.dma_semaphore, #tpu.memory_space<semaphore_mem>>)
      %mul3A_45 = arith.constant 2 : i32
      %mul3A_46 = arith.muli %scan3A_21, %mul3A_45 : i32
      %add3A_47 = arith.constant 1 : i32
      %add3A_48 = arith.addi %mul3A_46, %add3A_47 : i32
      %dma_start3A_49 = arith.constant 128 : i32
      %dma_start3A_50 = arith.constant 0 : i32
      %dma_start3A_51 = tpu.memref_slice %arg15[%dma_start3A_49, %dma_start3A_50] : memref<256x128xf32, #tpu.memory_space<vmem>> -> memref<128x128xf32, #tpu.memory_space<vmem>>
      %dma_start3A_52 = arith.constant 0 : i32
      %dma_start3A_53 = tpu.memref_slice %arg11[%add3A_48, %dma_start3A_52] : memref<4x128xi32, #tpu.memory_space<vmem>> -> memref<1x128xi32, #tpu.memory_space<vmem>>
      %dma_start3A_54 = tpu.memref_squeeze %dma_start3A_53 : memref<1x128xi32, #tpu.memory_space<vmem>> -> memref<128xi32, #tpu.memory_space<vmem>>
      %dma_start3A_55 = arith.constant 0 : i32
      %dma_start3A_56 = arith.constant 0 : i32
      %dma_start3A_57 = tpu.memref_slice %arg6[%dma_start3A_55, %dma_start3A_56] : memref<253952x128xf32, #tpu.memory_space<hbm>> -> memref<253952x128xf32, #tpu.memory_space<hbm>>
      tpu.enqueue_indirect_dma source(%dma_start3A_57 : memref<253952x128xf32, #tpu.memory_space<hbm>>) target(%dma_start3A_51 : memref<128x128xf32, #tpu.memory_space<vmem>>) offsets(%dma_start3A_54 : memref<128xi32, #tpu.memory_space<vmem>>) semaphore(%arg20 : memref<!tpu.dma_semaphore, #tpu.memory_space<semaphore_mem>>)
      %dma_start3A_58 = arith.constant 128 : i32
      %dma_start3A_59 = arith.constant 0 : i32
      %dma_start3A_60 = tpu.memref_slice %arg16[%dma_start3A_58, %dma_start3A_59] : memref<256x128xf32, #tpu.memory_space<vmem>> -> memref<128x128xf32, #tpu.memory_space<vmem>>
      %dma_start3A_61 = arith.constant 0 : i32
      %dma_start3A_62 = tpu.memref_slice %arg12[%add3A_48, %dma_start3A_61] : memref<4x128xi32, #tpu.memory_space<vmem>> -> memref<1x128xi32, #tpu.memory_space<vmem>>
      %dma_start3A_63 = tpu.memref_squeeze %dma_start3A_62 : memref<1x128xi32, #tpu.memory_space<vmem>> -> memref<128xi32, #tpu.memory_space<vmem>>
      %dma_start3A_64 = arith.constant 0 : i32
      %dma_start3A_65 = arith.constant 0 : i32
      %dma_start3A_66 = tpu.memref_slice %arg7[%dma_start3A_64, %dma_start3A_65] : memref<253952x128xf32, #tpu.memory_space<hbm>> -> memref<253952x128xf32, #tpu.memory_space<hbm>>
      tpu.enqueue_indirect_dma source(%dma_start3A_66 : memref<253952x128xf32, #tpu.memory_space<hbm>>) target(%dma_start3A_60 : memref<128x128xf32, #tpu.memory_space<vmem>>) offsets(%dma_start3A_63 : memref<128xi32, #tpu.memory_space<vmem>>) semaphore(%arg20 : memref<!tpu.dma_semaphore, #tpu.memory_space<semaphore_mem>>)
      %dma_wait3A = arith.constant 0 : i32
      %dma_wait3A_67 = arith.constant 0 : i32
      %dma_wait3A_68 = tpu.memref_slice %arg15[%dma_wait3A, %dma_wait3A_67] : memref<256x128xf32, #tpu.memory_space<vmem>> -> memref<128x128xf32, #tpu.memory_space<vmem>>
      %dma_wait3A_69 = arith.constant 0 : i32
      %dma_wait3A_70 = tpu.memref_slice %arg11[%add3A_27, %dma_wait3A_69] : memref<4x128xi32, #tpu.memory_space<vmem>> -> memref<1x128xi32, #tpu.memory_space<vmem>>
      %dma_wait3A_71 = tpu.memref_squeeze %dma_wait3A_70 : memref<1x128xi32, #tpu.memory_space<vmem>> -> memref<128xi32, #tpu.memory_space<vmem>>
      %dma_wait3A_72 = arith.constant 0 : i32
      %dma_wait3A_73 = arith.constant 0 : i32
      %dma_wait3A_74 = tpu.memref_slice %arg6[%dma_wait3A_72, %dma_wait3A_73] : memref<253952x128xf32, #tpu.memory_space<hbm>> -> memref<253952x128xf32, #tpu.memory_space<hbm>>
      tpu.wait_indirect_dma semaphore(%arg20 : memref<!tpu.dma_semaphore, #tpu.memory_space<semaphore_mem>>) src(%dma_wait3A_74 : memref<253952x128xf32, #tpu.memory_space<hbm>>) dst(%dma_wait3A_68 : memref<128x128xf32, #tpu.memory_space<vmem>>)
      %dma_wait3A_75 = arith.constant 0 : i32
      %dma_wait3A_76 = arith.constant 0 : i32
      %dma_wait3A_77 = tpu.memref_slice %arg16[%dma_wait3A_75, %dma_wait3A_76] : memref<256x128xf32, #tpu.memory_space<vmem>> -> memref<128x128xf32, #tpu.memory_space<vmem>>
      %dma_wait3A_78 = arith.constant 0 : i32
      %dma_wait3A_79 = tpu.memref_slice %arg12[%add3A_27, %dma_wait3A_78] : memref<4x128xi32, #tpu.memory_space<vmem>> -> memref<1x128xi32, #tpu.memory_space<vmem>>
      %dma_wait3A_80 = tpu.memref_squeeze %dma_wait3A_79 : memref<1x128xi32, #tpu.memory_space<vmem>> -> memref<128xi32, #tpu.memory_space<vmem>>
      %dma_wait3A_81 = arith.constant 0 : i32
      %dma_wait3A_82 = arith.constant 0 : i32
      %dma_wait3A_83 = tpu.memref_slice %arg7[%dma_wait3A_81, %dma_wait3A_82] : memref<253952x128xf32, #tpu.memory_space<hbm>> -> memref<253952x128xf32, #tpu.memory_space<hbm>>
      tpu.wait_indirect_dma semaphore(%arg20 : memref<!tpu.dma_semaphore, #tpu.memory_space<semaphore_mem>>) src(%dma_wait3A_83 : memref<253952x128xf32, #tpu.memory_space<hbm>>) dst(%dma_wait3A_77 : memref<128x128xf32, #tpu.memory_space<vmem>>)
      %dma_wait3A_84 = arith.constant 128 : i32
      %dma_wait3A_85 = arith.constant 0 : i32
      %dma_wait3A_86 = tpu.memref_slice %arg15[%dma_wait3A_84, %dma_wait3A_85] : memref<256x128xf32, #tpu.memory_space<vmem>> -> memref<128x128xf32, #tpu.memory_space<vmem>>
      %dma_wait3A_87 = arith.constant 0 : i32
      %dma_wait3A_88 = tpu.memref_slice %arg11[%add3A_48, %dma_wait3A_87] : memref<4x128xi32, #tpu.memory_space<vmem>> -> memref<1x128xi32, #tpu.memory_space<vmem>>
      %dma_wait3A_89 = tpu.memref_squeeze %dma_wait3A_88 : memref<1x128xi32, #tpu.memory_space<vmem>> -> memref<128xi32, #tpu.memory_space<vmem>>
      %dma_wait3A_90 = arith.constant 0 : i32
      %dma_wait3A_91 = arith.constant 0 : i32
      %dma_wait3A_92 = tpu.memref_slice %arg6[%dma_wait3A_90, %dma_wait3A_91] : memref<253952x128xf32, #tpu.memory_space<hbm>> -> memref<253952x128xf32, #tpu.memory_space<hbm>>
      tpu.wait_indirect_dma semaphore(%arg20 : memref<!tpu.dma_semaphore, #tpu.memory_space<semaphore_mem>>) src(%dma_wait3A_92 : memref<253952x128xf32, #tpu.memory_space<hbm>>) dst(%dma_wait3A_86 : memref<128x128xf32, #tpu.memory_space<vmem>>)
      %dma_wait3A_93 = arith.constant 128 : i32
      %dma_wait3A_94 = arith.constant 0 : i32
      %dma_wait3A_95 = tpu.memref_slice %arg16[%dma_wait3A_93, %dma_wait3A_94] : memref<256x128xf32, #tpu.memory_space<vmem>> -> memref<128x128xf32, #tpu.memory_space<vmem>>
      %dma_wait3A_96 = arith.constant 0 : i32
      %dma_wait3A_97 = tpu.memref_slice %arg12[%add3A_48, %dma_wait3A_96] : memref<4x128xi32, #tpu.memory_space<vmem>> -> memref<1x128xi32, #tpu.memory_space<vmem>>
      %dma_wait3A_98 = tpu.memref_squeeze %dma_wait3A_97 : memref<1x128xi32, #tpu.memory_space<vmem>> -> memref<128xi32, #tpu.memory_space<vmem>>
      %dma_wait3A_99 = arith.constant 0 : i32
      %dma_wait3A_100 = arith.constant 0 : i32
      %dma_wait3A_101 = tpu.memref_slice %arg7[%dma_wait3A_99, %dma_wait3A_100] : memref<253952x128xf32, #tpu.memory_space<hbm>> -> memref<253952x128xf32, #tpu.memory_space<hbm>>
      tpu.wait_indirect_dma semaphore(%arg20 : memref<!tpu.dma_semaphore, #tpu.memory_space<semaphore_mem>>) src(%dma_wait3A_101 : memref<253952x128xf32, #tpu.memory_space<hbm>>) dst(%dma_wait3A_95 : memref<128x128xf32, #tpu.memory_space<vmem>>)
      %scan3A_102 = arith.constant 0 : i32
      %scan3A_103 = arith.constant 0 : i32
      %scan3A_104 = arith.constant 16 : i32
      %scan3A_105 = arith.addi %scan3A_103, %scan3A_104 : i32
      %scan3A_106 = arith.constant 1 : i32
      scf.for %scan3A_108 = %scan3A_103 to %scan3A_105 step %scan3A_106  : i32 {
        %mul3A_109 = arith.constant 16 : i32
        %mul3A_110 = arith.muli %scan3A_108, %mul3A_109 : i32
        %add3A_111 = arith.addi %mul3A_23, %mul3A_110 : i32
        %get3A_112 = arith.index_cast %add3A_111 : i32 to index
        %get3A_113 = tpu.vector_load %arg13[%get3A_112] {strides = array<i32>} : memref<512xi32, #tpu.memory_space<vmem>>, vector<16xi32>,
        %get3A_114 = arith.index_cast %add3A_111 : i32 to index
        %get3A_115 = tpu.vector_load %arg14[%get3A_114] {strides = array<i32>} : memref<512xi32, #tpu.memory_space<vmem>>, vector<16xi32>,
        %broadcast_in_dim3A = arith.constant 0.000000e+00 : f32
        %broadcast_in_dim3A_116 = vector.broadcast %broadcast_in_dim3A : f32 to vector<16xf32>
        %add3A_117 = arith.constant 0 : i32
        %add3A_118 = arith.addi %mul3A_110, %add3A_117 : i32
        %slice3A = vector.extract_strided_slice %get3A_113 {offsets = [0], sizes = [1], strides = [1]} : vector<16xi32> to vector<1xi32>
        %squeeze3A = vector.extract %slice3A[0] : i32 from vector<1xi32>
        %slice3A_119 = vector.extract_strided_slice %get3A_115 {offsets = [0], sizes = [1], strides = [1]} : vector<16xi32> to vector<1xi32>
        %squeeze3A_120 = vector.extract %slice3A_119[0] : i32 from vector<1xi32>
        %get3A_121 = arith.index_cast %add3A_118 : i32 to index
        %get3A_122 = arith.index_cast %squeeze3A : i32 to index
        %get3A_123 = tpu.vector_load %arg15[%get3A_121, %get3A_122] {strides = array<i32>} : memref<256x128xf32, #tpu.memory_space<vmem>>, vector<16xf32>,
        %add3A_124 = arith.constant 16 : i32
        %add3A_125 = arith.addi %squeeze3A, %add3A_124 : i32
        %get3A_126 = arith.index_cast %add3A_118 : i32 to index
        %get3A_127 = arith.index_cast %add3A_125 : i32 to index
        %get3A_128 = tpu.vector_load %arg15[%get3A_126, %get3A_127] {strides = array<i32>} : memref<256x128xf32, #tpu.memory_space<vmem>>, vector<16xf32>,
        %get3A_129 = arith.index_cast %add3A_118 : i32 to index
        %get3A_130 = arith.index_cast %squeeze3A_120 : i32 to index
        %get3A_131 = tpu.vector_load %arg16[%get3A_129, %get3A_130] {strides = array<i32>} : memref<256x128xf32, #tpu.memory_space<vmem>>, vector<16xf32>,
        %add3A_132 = arith.constant 16 : i32
        %add3A_133 = arith.addi %squeeze3A_120, %add3A_132 : i32
        %get3A_134 = arith.index_cast %add3A_118 : i32 to index
        %get3A_135 = arith.index_cast %add3A_133 : i32 to index
        %get3A_136 = tpu.vector_load %arg16[%get3A_134, %get3A_135] {strides = array<i32>} : memref<256x128xf32, #tpu.memory_space<vmem>>, vector<16xf32>,
        %mul3A_137 = arith.mulf %get3A_123, %get3A_131 : vector<16xf32>
        %mul3A_138 = arith.mulf %mul3A_137, %get3A_9 : vector<16xf32>
        %mul3A_139 = arith.mulf %get3A_128, %get3A_136 : vector<16xf32>
        %mul3A_140 = arith.mulf %mul3A_139, %get3A_11 : vector<16xf32>
        %add3A_141 = arith.addf %mul3A_138, %mul3A_140 : vector<16xf32>
        %eq3A = arith.constant 0 : i32
        %eq3A_142 = vector.broadcast %eq3A : i32 to vector<16xi32>
        %eq3A_143 = arith.cmpi eq, %iota3A, %eq3A_142 : vector<16xi32>
        %reduce_sum3A = arith.constant true
        %reduce_sum3A_144 = vector.broadcast %reduce_sum3A : i1 to vector<16xi1>
        %reduce_sum3A_145 = tpu.scan <sum>, %add3A_141 masked %reduce_sum3A_144 : vector<16xf32>, vector<16xi1> -> vector<16xf32>
        %reduce_sum3A_146 = vector.extract %reduce_sum3A_145[15] : f32 from vector<16xf32>
        %broadcast_in_dim3A_147 = vector.broadcast %reduce_sum3A_146 : f32 to vector<16xf32>
        %select_n3A = arith.select %eq3A_143, %broadcast_in_dim3A_147, %broadcast_in_dim3A_116 : vector<16xi1>, vector<16xf32>
        %add3A_148 = arith.constant 1 : i32
        %add3A_149 = arith.addi %mul3A_110, %add3A_148 : i32
        %slice3A_150 = vector.extract_strided_slice %get3A_113 {offsets = [1], sizes = [1], strides = [1]} : vector<16xi32> to vector<1xi32>
        %squeeze3A_151 = vector.extract %slice3A_150[0] : i32 from vector<1xi32>
        %slice3A_152 = vector.extract_strided_slice %get3A_115 {offsets = [1], sizes = [1], strides = [1]} : vector<16xi32> to vector<1xi32>
        %squeeze3A_153 = vector.extract %slice3A_152[0] : i32 from vector<1xi32>
        %get3A_154 = arith.index_cast %add3A_149 : i32 to index
        %get3A_155 = arith.index_cast %squeeze3A_151 : i32 to index
        %get3A_156 = tpu.vector_load %arg15[%get3A_154, %get3A_155] {strides = array<i32>} : memref<256x128xf32, #tpu.memory_space<vmem>>, vector<16xf32>,
        %add3A_157 = arith.constant 16 : i32
        %add3A_158 = arith.addi %squeeze3A_151, %add3A_157 : i32
        %get3A_159 = arith.index_cast %add3A_149 : i32 to index
        %get3A_160 = arith.index_cast %add3A_158 : i32 to index
        %get3A_161 = tpu.vector_load %arg15[%get3A_159, %get3A_160] {strides = array<i32>} : memref<256x128xf32, #tpu.memory_space<vmem>>, vector<16xf32>,
        %get3A_162 = arith.index_cast %add3A_149 : i32 to index
        %get3A_163 = arith.index_cast %squeeze3A_153 : i32 to index
        %get3A_164 = tpu.vector_load %arg16[%get3A_162, %get3A_163] {strides = array<i32>} : memref<256x128xf32, #tpu.memory_space<vmem>>, vector<16xf32>,
        %add3A_165 = arith.constant 16 : i32
        %add3A_166 = arith.addi %squeeze3A_153, %add3A_165 : i32
        %get3A_167 = arith.index_cast %add3A_149 : i32 to index
        %get3A_168 = arith.index_cast %add3A_166 : i32 to index
        %get3A_169 = tpu.vector_load %arg16[%get3A_167, %get3A_168] {strides = array<i32>} : memref<256x128xf32, #tpu.memory_space<vmem>>, vector<16xf32>,
        %mul3A_170 = arith.mulf %get3A_156, %get3A_164 : vector<16xf32>
        %mul3A_171 = arith.mulf %mul3A_170, %get3A_9 : vector<16xf32>
        %mul3A_172 = arith.mulf %get3A_161, %get3A_169 : vector<16xf32>
        %mul3A_173 = arith.mulf %mul3A_172, %get3A_11 : vector<16xf32>
        %add3A_174 = arith.addf %mul3A_171, %mul3A_173 : vector<16xf32>
        %eq3A_175 = arith.constant 1 : i32
        %eq3A_176 = vector.broadcast %eq3A_175 : i32 to vector<16xi32>
        %eq3A_177 = arith.cmpi eq, %iota3A, %eq3A_176 : vector<16xi32>
        %reduce_sum3A_178 = arith.constant true
        %reduce_sum3A_179 = vector.broadcast %reduce_sum3A_178 : i1 to vector<16xi1>
        %reduce_sum3A_180 = tpu.scan <sum>, %add3A_174 masked %reduce_sum3A_179 : vector<16xf32>, vector<16xi1> -> vector<16xf32>
        %reduce_sum3A_181 = vector.extract %reduce_sum3A_180[15] : f32 from vector<16xf32>
        %broadcast_in_dim3A_182 = vector.broadcast %reduce_sum3A_181 : f32 to vector<16xf32>
        %select_n3A_183 = arith.select %eq3A_177, %broadcast_in_dim3A_182, %select_n3A : vector<16xi1>, vector<16xf32>
        %add3A_184 = arith.constant 2 : i32
        %add3A_185 = arith.addi %mul3A_110, %add3A_184 : i32
        %slice3A_186 = vector.extract_strided_slice %get3A_113 {offsets = [2], sizes = [1], strides = [1]} : vector<16xi32> to vector<1xi32>
        %squeeze3A_187 = vector.extract %slice3A_186[0] : i32 from vector<1xi32>
        %slice3A_188 = vector.extract_strided_slice %get3A_115 {offsets = [2], sizes = [1], strides = [1]} : vector<16xi32> to vector<1xi32>
        %squeeze3A_189 = vector.extract %slice3A_188[0] : i32 from vector<1xi32>
        %get3A_190 = arith.index_cast %add3A_185 : i32 to index
        %get3A_191 = arith.index_cast %squeeze3A_187 : i32 to index
        %get3A_192 = tpu.vector_load %arg15[%get3A_190, %get3A_191] {strides = array<i32>} : memref<256x128xf32, #tpu.memory_space<vmem>>, vector<16xf32>,
        %add3A_193 = arith.constant 16 : i32
        %add3A_194 = arith.addi %squeeze3A_187, %add3A_193 : i32
        %get3A_195 = arith.index_cast %add3A_185 : i32 to index
        %get3A_196 = arith.index_cast %add3A_194 : i32 to index
        %get3A_197 = tpu.vector_load %arg15[%get3A_195, %get3A_196] {strides = array<i32>} : memref<256x128xf32, #tpu.memory_space<vmem>>, vector<16xf32>,
        %get3A_198 = arith.index_cast %add3A_185 : i32 to index
        %get3A_199 = arith.index_cast %squeeze3A_189 : i32 to index
        %get3A_200 = tpu.vector_load %arg16[%get3A_198, %get3A_199] {strides = array<i32>} : memref<256x128xf32, #tpu.memory_space<vmem>>, vector<16xf32>,
        %add3A_201 = arith.constant 16 : i32
        %add3A_202 = arith.addi %squeeze3A_189, %add3A_201 : i32
        %get3A_203 = arith.index_cast %add3A_185 : i32 to index
        %get3A_204 = arith.index_cast %add3A_202 : i32 to index
        %get3A_205 = tpu.vector_load %arg16[%get3A_203, %get3A_204] {strides = array<i32>} : memref<256x128xf32, #tpu.memory_space<vmem>>, vector<16xf32>,
        %mul3A_206 = arith.mulf %get3A_192, %get3A_200 : vector<16xf32>
        %mul3A_207 = arith.mulf %mul3A_206, %get3A_9 : vector<16xf32>
        %mul3A_208 = arith.mulf %get3A_197, %get3A_205 : vector<16xf32>
        %mul3A_209 = arith.mulf %mul3A_208, %get3A_11 : vector<16xf32>
        %add3A_210 = arith.addf %mul3A_207, %mul3A_209 : vector<16xf32>
        %eq3A_211 = arith.constant 2 : i32
        %eq3A_212 = vector.broadcast %eq3A_211 : i32 to vector<16xi32>
        %eq3A_213 = arith.cmpi eq, %iota3A, %eq3A_212 : vector<16xi32>
        %reduce_sum3A_214 = arith.constant true
        %reduce_sum3A_215 = vector.broadcast %reduce_sum3A_214 : i1 to vector<16xi1>
        %reduce_sum3A_216 = tpu.scan <sum>, %add3A_210 masked %reduce_sum3A_215 : vector<16xf32>, vector<16xi1> -> vector<16xf32>
        %reduce_sum3A_217 = vector.extract %reduce_sum3A_216[15] : f32 from vector<16xf32>
        %broadcast_in_dim3A_218 = vector.broadcast %reduce_sum3A_217 : f32 to vector<16xf32>
        %select_n3A_219 = arith.select %eq3A_213, %broadcast_in_dim3A_218, %select_n3A_183 : vector<16xi1>, vector<16xf32>
        %add3A_220 = arith.constant 3 : i32
        %add3A_221 = arith.addi %mul3A_110, %add3A_220 : i32
        %slice3A_222 = vector.extract_strided_slice %get3A_113 {offsets = [3], sizes = [1], strides = [1]} : vector<16xi32> to vector<1xi32>
        %squeeze3A_223 = vector.extract %slice3A_222[0] : i32 from vector<1xi32>
        %slice3A_224 = vector.extract_strided_slice %get3A_115 {offsets = [3], sizes = [1], strides = [1]} : vector<16xi32> to vector<1xi32>
        %squeeze3A_225 = vector.extract %slice3A_224[0] : i32 from vector<1xi32>
        %get3A_226 = arith.index_cast %add3A_221 : i32 to index
        %get3A_227 = arith.index_cast %squeeze3A_223 : i32 to index
        %get3A_228 = tpu.vector_load %arg15[%get3A_226, %get3A_227] {strides = array<i32>} : memref<256x128xf32, #tpu.memory_space<vmem>>, vector<16xf32>,
        %add3A_229 = arith.constant 16 : i32
        %add3A_230 = arith.addi %squeeze3A_223, %add3A_229 : i32
        %get3A_231 = arith.index_cast %add3A_221 : i32 to index
        %get3A_232 = arith.index_cast %add3A_230 : i32 to index
        %get3A_233 = tpu.vector_load %arg15[%get3A_231, %get3A_232] {strides = array<i32>} : memref<256x128xf32, #tpu.memory_space<vmem>>, vector<16xf32>,
        %get3A_234 = arith.index_cast %add3A_221 : i32 to index
        %get3A_235 = arith.index_cast %squeeze3A_225 : i32 to index
        %get3A_236 = tpu.vector_load %arg16[%get3A_234, %get3A_235] {strides = array<i32>} : memref<256x128xf32, #tpu.memory_space<vmem>>, vector<16xf32>,
        %add3A_237 = arith.constant 16 : i32
        %add3A_238 = arith.addi %squeeze3A_225, %add3A_237 : i32
        %get3A_239 = arith.index_cast %add3A_221 : i32 to index
        %get3A_240 = arith.index_cast %add3A_238 : i32 to index
        %get3A_241 = tpu.vector_load %arg16[%get3A_239, %get3A_240] {strides = array<i32>} : memref<256x128xf32, #tpu.memory_space<vmem>>, vector<16xf32>,
        %mul3A_242 = arith.mulf %get3A_228, %get3A_236 : vector<16xf32>
        %mul3A_243 = arith.mulf %mul3A_242, %get3A_9 : vector<16xf32>
        %mul3A_244 = arith.mulf %get3A_233, %get3A_241 : vector<16xf32>
        %mul3A_245 = arith.mulf %mul3A_244, %get3A_11 : vector<16xf32>
        %add3A_246 = arith.addf %mul3A_243, %mul3A_245 : vector<16xf32>
        %eq3A_247 = arith.constant 3 : i32
        %eq3A_248 = vector.broadcast %eq3A_247 : i32 to vector<16xi32>
        %eq3A_249 = arith.cmpi eq, %iota3A, %eq3A_248 : vector<16xi32>
        %reduce_sum3A_250 = arith.constant true
        %reduce_sum3A_251 = vector.broadcast %reduce_sum3A_250 : i1 to vector<16xi1>
        %reduce_sum3A_252 = tpu.scan <sum>, %add3A_246 masked %reduce_sum3A_251 : vector<16xf32>, vector<16xi1> -> vector<16xf32>
        %reduce_sum3A_253 = vector.extract %reduce_sum3A_252[15] : f32 from vector<16xf32>
        %broadcast_in_dim3A_254 = vector.broadcast %reduce_sum3A_253 : f32 to vector<16xf32>
        %select_n3A_255 = arith.select %eq3A_249, %broadcast_in_dim3A_254, %select_n3A_219 : vector<16xi1>, vector<16xf32>
        %add3A_256 = arith.constant 4 : i32
        %add3A_257 = arith.addi %mul3A_110, %add3A_256 : i32
        %slice3A_258 = vector.extract_strided_slice %get3A_113 {offsets = [4], sizes = [1], strides = [1]} : vector<16xi32> to vector<1xi32>
        %squeeze3A_259 = vector.extract %slice3A_258[0] : i32 from vector<1xi32>
        %slice3A_260 = vector.extract_strided_slice %get3A_115 {offsets = [4], sizes = [1], strides = [1]} : vector<16xi32> to vector<1xi32>
        %squeeze3A_261 = vector.extract %slice3A_260[0] : i32 from vector<1xi32>
        %get3A_262 = arith.index_cast %add3A_257 : i32 to index
        %get3A_263 = arith.index_cast %squeeze3A_259 : i32 to index
        %get3A_264 = tpu.vector_load %arg15[%get3A_262, %get3A_263] {strides = array<i32>} : memref<256x128xf32, #tpu.memory_space<vmem>>, vector<16xf32>,
        %add3A_265 = arith.constant 16 : i32
        %add3A_266 = arith.addi %squeeze3A_259, %add3A_265 : i32
        %get3A_267 = arith.index_cast %add3A_257 : i32 to index
        %get3A_268 = arith.index_cast %add3A_266 : i32 to index
        %get3A_269 = tpu.vector_load %arg15[%get3A_267, %get3A_268] {strides = array<i32>} : memref<256x128xf32, #tpu.memory_space<vmem>>, vector<16xf32>,
        %get3A_270 = arith.index_cast %add3A_257 : i32 to index
        %get3A_271 = arith.index_cast %squeeze3A_261 : i32 to index
        %get3A_272 = tpu.vector_load %arg16[%get3A_270, %get3A_271] {strides = array<i32>} : memref<256x128xf32, #tpu.memory_space<vmem>>, vector<16xf32>,
        %add3A_273 = arith.constant 16 : i32
        %add3A_274 = arith.addi %squeeze3A_261, %add3A_273 : i32
        %get3A_275 = arith.index_cast %add3A_257 : i32 to index
        %get3A_276 = arith.index_cast %add3A_274 : i32 to index
        %get3A_277 = tpu.vector_load %arg16[%get3A_275, %get3A_276] {strides = array<i32>} : memref<256x128xf32, #tpu.memory_space<vmem>>, vector<16xf32>,
        %mul3A_278 = arith.mulf %get3A_264, %get3A_272 : vector<16xf32>
        %mul3A_279 = arith.mulf %mul3A_278, %get3A_9 : vector<16xf32>
        %mul3A_280 = arith.mulf %get3A_269, %get3A_277 : vector<16xf32>
        %mul3A_281 = arith.mulf %mul3A_280, %get3A_11 : vector<16xf32>
        %add3A_282 = arith.addf %mul3A_279, %mul3A_281 : vector<16xf32>
        %eq3A_283 = arith.constant 4 : i32
        %eq3A_284 = vector.broadcast %eq3A_283 : i32 to vector<16xi32>
        %eq3A_285 = arith.cmpi eq, %iota3A, %eq3A_284 : vector<16xi32>
        %reduce_sum3A_286 = arith.constant true
        %reduce_sum3A_287 = vector.broadcast %reduce_sum3A_286 : i1 to vector<16xi1>
        %reduce_sum3A_288 = tpu.scan <sum>, %add3A_282 masked %reduce_sum3A_287 : vector<16xf32>, vector<16xi1> -> vector<16xf32>
        %reduce_sum3A_289 = vector.extract %reduce_sum3A_288[15] : f32 from vector<16xf32>
        %broadcast_in_dim3A_290 = vector.broadcast %reduce_sum3A_289 : f32 to vector<16xf32>
        %select_n3A_291 = arith.select %eq3A_285, %broadcast_in_dim3A_290, %select_n3A_255 : vector<16xi1>, vector<16xf32>
        %add3A_292 = arith.constant 5 : i32
        %add3A_293 = arith.addi %mul3A_110, %add3A_292 : i32
        %slice3A_294 = vector.extract_strided_slice %get3A_113 {offsets = [5], sizes = [1], strides = [1]} : vector<16xi32> to vector<1xi32>
        %squeeze3A_295 = vector.extract %slice3A_294[0] : i32 from vector<1xi32>
        %slice3A_296 = vector.extract_strided_slice %get3A_115 {offsets = [5], sizes = [1], strides = [1]} : vector<16xi32> to vector<1xi32>
        %squeeze3A_297 = vector.extract %slice3A_296[0] : i32 from vector<1xi32>
        %get3A_298 = arith.index_cast %add3A_293 : i32 to index
        %get3A_299 = arith.index_cast %squeeze3A_295 : i32 to index
        %get3A_300 = tpu.vector_load %arg15[%get3A_298, %get3A_299] {strides = array<i32>} : memref<256x128xf32, #tpu.memory_space<vmem>>, vector<16xf32>,
        %add3A_301 = arith.constant 16 : i32
        %add3A_302 = arith.addi %squeeze3A_295, %add3A_301 : i32
        %get3A_303 = arith.index_cast %add3A_293 : i32 to index
        %get3A_304 = arith.index_cast %add3A_302 : i32 to index
        %get3A_305 = tpu.vector_load %arg15[%get3A_303, %get3A_304] {strides = array<i32>} : memref<256x128xf32, #tpu.memory_space<vmem>>, vector<16xf32>,
        %get3A_306 = arith.index_cast %add3A_293 : i32 to index
        %get3A_307 = arith.index_cast %squeeze3A_297 : i32 to index
        %get3A_308 = tpu.vector_load %arg16[%get3A_306, %get3A_307] {strides = array<i32>} : memref<256x128xf32, #tpu.memory_space<vmem>>, vector<16xf32>,
        %add3A_309 = arith.constant 16 : i32
        %add3A_310 = arith.addi %squeeze3A_297, %add3A_309 : i32
        %get3A_311 = arith.index_cast %add3A_293 : i32 to index
        %get3A_312 = arith.index_cast %add3A_310 : i32 to index
        %get3A_313 = tpu.vector_load %arg16[%get3A_311, %get3A_312] {strides = array<i32>} : memref<256x128xf32, #tpu.memory_space<vmem>>, vector<16xf32>,
        %mul3A_314 = arith.mulf %get3A_300, %get3A_308 : vector<16xf32>
        %mul3A_315 = arith.mulf %mul3A_314, %get3A_9 : vector<16xf32>
        %mul3A_316 = arith.mulf %get3A_305, %get3A_313 : vector<16xf32>
        %mul3A_317 = arith.mulf %mul3A_316, %get3A_11 : vector<16xf32>
        %add3A_318 = arith.addf %mul3A_315, %mul3A_317 : vector<16xf32>
        %eq3A_319 = arith.constant 5 : i32
        %eq3A_320 = vector.broadcast %eq3A_319 : i32 to vector<16xi32>
        %eq3A_321 = arith.cmpi eq, %iota3A, %eq3A_320 : vector<16xi32>
        %reduce_sum3A_322 = arith.constant true
        %reduce_sum3A_323 = vector.broadcast %reduce_sum3A_322 : i1 to vector<16xi1>
        %reduce_sum3A_324 = tpu.scan <sum>, %add3A_318 masked %reduce_sum3A_323 : vector<16xf32>, vector<16xi1> -> vector<16xf32>
        %reduce_sum3A_325 = vector.extract %reduce_sum3A_324[15] : f32 from vector<16xf32>
        %broadcast_in_dim3A_326 = vector.broadcast %reduce_sum3A_325 : f32 to vector<16xf32>
        %select_n3A_327 = arith.select %eq3A_321, %broadcast_in_dim3A_326, %select_n3A_291 : vector<16xi1>, vector<16xf32>
        %add3A_328 = arith.constant 6 : i32
        %add3A_329 = arith.addi %mul3A_110, %add3A_328 : i32
        %slice3A_330 = vector.extract_strided_slice %get3A_113 {offsets = [6], sizes = [1], strides = [1]} : vector<16xi32> to vector<1xi32>
        %squeeze3A_331 = vector.extract %slice3A_330[0] : i32 from vector<1xi32>
        %slice3A_332 = vector.extract_strided_slice %get3A_115 {offsets = [6], sizes = [1], strides = [1]} : vector<16xi32> to vector<1xi32>
        %squeeze3A_333 = vector.extract %slice3A_332[0] : i32 from vector<1xi32>
        %get3A_334 = arith.index_cast %add3A_329 : i32 to index
        %get3A_335 = arith.index_cast %squeeze3A_331 : i32 to index
        %get3A_336 = tpu.vector_load %arg15[%get3A_334, %get3A_335] {strides = array<i32>} : memref<256x128xf32, #tpu.memory_space<vmem>>, vector<16xf32>,
        %add3A_337 = arith.constant 16 : i32
        %add3A_338 = arith.addi %squeeze3A_331, %add3A_337 : i32
        %get3A_339 = arith.index_cast %add3A_329 : i32 to index
        %get3A_340 = arith.index_cast %add3A_338 : i32 to index
        %get3A_341 = tpu.vector_load %arg15[%get3A_339, %get3A_340] {strides = array<i32>} : memref<256x128xf32, #tpu.memory_space<vmem>>, vector<16xf32>,
        %get3A_342 = arith.index_cast %add3A_329 : i32 to index
        %get3A_343 = arith.index_cast %squeeze3A_333 : i32 to index
        %get3A_344 = tpu.vector_load %arg16[%get3A_342, %get3A_343] {strides = array<i32>} : memref<256x128xf32, #tpu.memory_space<vmem>>, vector<16xf32>,
        %add3A_345 = arith.constant 16 : i32
        %add3A_346 = arith.addi %squeeze3A_333, %add3A_345 : i32
        %get3A_347 = arith.index_cast %add3A_329 : i32 to index
        %get3A_348 = arith.index_cast %add3A_346 : i32 to index
        %get3A_349 = tpu.vector_load %arg16[%get3A_347, %get3A_348] {strides = array<i32>} : memref<256x128xf32, #tpu.memory_space<vmem>>, vector<16xf32>,
        %mul3A_350 = arith.mulf %get3A_336, %get3A_344 : vector<16xf32>
        %mul3A_351 = arith.mulf %mul3A_350, %get3A_9 : vector<16xf32>
        %mul3A_352 = arith.mulf %get3A_341, %get3A_349 : vector<16xf32>
        %mul3A_353 = arith.mulf %mul3A_352, %get3A_11 : vector<16xf32>
        %add3A_354 = arith.addf %mul3A_351, %mul3A_353 : vector<16xf32>
        %eq3A_355 = arith.constant 6 : i32
        %eq3A_356 = vector.broadcast %eq3A_355 : i32 to vector<16xi32>
        %eq3A_357 = arith.cmpi eq, %iota3A, %eq3A_356 : vector<16xi32>
        %reduce_sum3A_358 = arith.constant true
        %reduce_sum3A_359 = vector.broadcast %reduce_sum3A_358 : i1 to vector<16xi1>
        %reduce_sum3A_360 = tpu.scan <sum>, %add3A_354 masked %reduce_sum3A_359 : vector<16xf32>, vector<16xi1> -> vector<16xf32>
        %reduce_sum3A_361 = vector.extract %reduce_sum3A_360[15] : f32 from vector<16xf32>
        %broadcast_in_dim3A_362 = vector.broadcast %reduce_sum3A_361 : f32 to vector<16xf32>
        %select_n3A_363 = arith.select %eq3A_357, %broadcast_in_dim3A_362, %select_n3A_327 : vector<16xi1>, vector<16xf32>
        %add3A_364 = arith.constant 7 : i32
        %add3A_365 = arith.addi %mul3A_110, %add3A_364 : i32
        %slice3A_366 = vector.extract_strided_slice %get3A_113 {offsets = [7], sizes = [1], strides = [1]} : vector<16xi32> to vector<1xi32>
        %squeeze3A_367 = vector.extract %slice3A_366[0] : i32 from vector<1xi32>
        %slice3A_368 = vector.extract_strided_slice %get3A_115 {offsets = [7], sizes = [1], strides = [1]} : vector<16xi32> to vector<1xi32>
        %squeeze3A_369 = vector.extract %slice3A_368[0] : i32 from vector<1xi32>
        %get3A_370 = arith.index_cast %add3A_365 : i32 to index
        %get3A_371 = arith.index_cast %squeeze3A_367 : i32 to index
        %get3A_372 = tpu.vector_load %arg15[%get3A_370, %get3A_371] {strides = array<i32>} : memref<256x128xf32, #tpu.memory_space<vmem>>, vector<16xf32>,
        %add3A_373 = arith.constant 16 : i32
        %add3A_374 = arith.addi %squeeze3A_367, %add3A_373 : i32
        %get3A_375 = arith.index_cast %add3A_365 : i32 to index
        %get3A_376 = arith.index_cast %add3A_374 : i32 to index
        %get3A_377 = tpu.vector_load %arg15[%get3A_375, %get3A_376] {strides = array<i32>} : memref<256x128xf32, #tpu.memory_space<vmem>>, vector<16xf32>,
        %get3A_378 = arith.index_cast %add3A_365 : i32 to index
        %get3A_379 = arith.index_cast %squeeze3A_369 : i32 to index
        %get3A_380 = tpu.vector_load %arg16[%get3A_378, %get3A_379] {strides = array<i32>} : memref<256x128xf32, #tpu.memory_space<vmem>>, vector<16xf32>,
        %add3A_381 = arith.constant 16 : i32
        %add3A_382 = arith.addi %squeeze3A_369, %add3A_381 : i32
        %get3A_383 = arith.index_cast %add3A_365 : i32 to index
        %get3A_384 = arith.index_cast %add3A_382 : i32 to index
        %get3A_385 = tpu.vector_load %arg16[%get3A_383, %get3A_384] {strides = array<i32>} : memref<256x128xf32, #tpu.memory_space<vmem>>, vector<16xf32>,
        %mul3A_386 = arith.mulf %get3A_372, %get3A_380 : vector<16xf32>
        %mul3A_387 = arith.mulf %mul3A_386, %get3A_9 : vector<16xf32>
        %mul3A_388 = arith.mulf %get3A_377, %get3A_385 : vector<16xf32>
        %mul3A_389 = arith.mulf %mul3A_388, %get3A_11 : vector<16xf32>
        %add3A_390 = arith.addf %mul3A_387, %mul3A_389 : vector<16xf32>
        %eq3A_391 = arith.constant 7 : i32
        %eq3A_392 = vector.broadcast %eq3A_391 : i32 to vector<16xi32>
        %eq3A_393 = arith.cmpi eq, %iota3A, %eq3A_392 : vector<16xi32>
        %reduce_sum3A_394 = arith.constant true
        %reduce_sum3A_395 = vector.broadcast %reduce_sum3A_394 : i1 to vector<16xi1>
        %reduce_sum3A_396 = tpu.scan <sum>, %add3A_390 masked %reduce_sum3A_395 : vector<16xf32>, vector<16xi1> -> vector<16xf32>
        %reduce_sum3A_397 = vector.extract %reduce_sum3A_396[15] : f32 from vector<16xf32>
        %broadcast_in_dim3A_398 = vector.broadcast %reduce_sum3A_397 : f32 to vector<16xf32>
        %select_n3A_399 = arith.select %eq3A_393, %broadcast_in_dim3A_398, %select_n3A_363 : vector<16xi1>, vector<16xf32>
        %add3A_400 = arith.constant 8 : i32
        %add3A_401 = arith.addi %mul3A_110, %add3A_400 : i32
        %slice3A_402 = vector.extract_strided_slice %get3A_113 {offsets = [8], sizes = [1], strides = [1]} : vector<16xi32> to vector<1xi32>
        %squeeze3A_403 = vector.extract %slice3A_402[0] : i32 from vector<1xi32>
        %slice3A_404 = vector.extract_strided_slice %get3A_115 {offsets = [8], sizes = [1], strides = [1]} : vector<16xi32> to vector<1xi32>
        %squeeze3A_405 = vector.extract %slice3A_404[0] : i32 from vector<1xi32>
        %get3A_406 = arith.index_cast %add3A_401 : i32 to index
        %get3A_407 = arith.index_cast %squeeze3A_403 : i32 to index
        %get3A_408 = tpu.vector_load %arg15[%get3A_406, %get3A_407] {strides = array<i32>} : memref<256x128xf32, #tpu.memory_space<vmem>>, vector<16xf32>,
        %add3A_409 = arith.constant 16 : i32
        %add3A_410 = arith.addi %squeeze3A_403, %add3A_409 : i32
        %get3A_411 = arith.index_cast %add3A_401 : i32 to index
        %get3A_412 = arith.index_cast %add3A_410 : i32 to index
        %get3A_413 = tpu.vector_load %arg15[%get3A_411, %get3A_412] {strides = array<i32>} : memref<256x128xf32, #tpu.memory_space<vmem>>, vector<16xf32>,
        %get3A_414 = arith.index_cast %add3A_401 : i32 to index
        %get3A_415 = arith.index_cast %squeeze3A_405 : i32 to index
        %get3A_416 = tpu.vector_load %arg16[%get3A_414, %get3A_415] {strides = array<i32>} : memref<256x128xf32, #tpu.memory_space<vmem>>, vector<16xf32>,
        %add3A_417 = arith.constant 16 : i32
        %add3A_418 = arith.addi %squeeze3A_405, %add3A_417 : i32
        %get3A_419 = arith.index_cast %add3A_401 : i32 to index
        %get3A_420 = arith.index_cast %add3A_418 : i32 to index
        %get3A_421 = tpu.vector_load %arg16[%get3A_419, %get3A_420] {strides = array<i32>} : memref<256x128xf32, #tpu.memory_space<vmem>>, vector<16xf32>,
        %mul3A_422 = arith.mulf %get3A_408, %get3A_416 : vector<16xf32>
        %mul3A_423 = arith.mulf %mul3A_422, %get3A_9 : vector<16xf32>
        %mul3A_424 = arith.mulf %get3A_413, %get3A_421 : vector<16xf32>
        %mul3A_425 = arith.mulf %mul3A_424, %get3A_11 : vector<16xf32>
        %add3A_426 = arith.addf %mul3A_423, %mul3A_425 : vector<16xf32>
        %eq3A_427 = arith.constant 8 : i32
        %eq3A_428 = vector.broadcast %eq3A_427 : i32 to vector<16xi32>
        %eq3A_429 = arith.cmpi eq, %iota3A, %eq3A_428 : vector<16xi32>
        %reduce_sum3A_430 = arith.constant true
        %reduce_sum3A_431 = vector.broadcast %reduce_sum3A_430 : i1 to vector<16xi1>
        %reduce_sum3A_432 = tpu.scan <sum>, %add3A_426 masked %reduce_sum3A_431 : vector<16xf32>, vector<16xi1> -> vector<16xf32>
        %reduce_sum3A_433 = vector.extract %reduce_sum3A_432[15] : f32 from vector<16xf32>
        %broadcast_in_dim3A_434 = vector.broadcast %reduce_sum3A_433 : f32 to vector<16xf32>
        %select_n3A_435 = arith.select %eq3A_429, %broadcast_in_dim3A_434, %select_n3A_399 : vector<16xi1>, vector<16xf32>
        %add3A_436 = arith.constant 9 : i32
        %add3A_437 = arith.addi %mul3A_110, %add3A_436 : i32
        %slice3A_438 = vector.extract_strided_slice %get3A_113 {offsets = [9], sizes = [1], strides = [1]} : vector<16xi32> to vector<1xi32>
        %squeeze3A_439 = vector.extract %slice3A_438[0] : i32 from vector<1xi32>
        %slice3A_440 = vector.extract_strided_slice %get3A_115 {offsets = [9], sizes = [1], strides = [1]} : vector<16xi32> to vector<1xi32>
        %squeeze3A_441 = vector.extract %slice3A_440[0] : i32 from vector<1xi32>
        %get3A_442 = arith.index_cast %add3A_437 : i32 to index
        %get3A_443 = arith.index_cast %squeeze3A_439 : i32 to index
        %get3A_444 = tpu.vector_load %arg15[%get3A_442, %get3A_443] {strides = array<i32>} : memref<256x128xf32, #tpu.memory_space<vmem>>, vector<16xf32>,
        %add3A_445 = arith.constant 16 : i32
        %add3A_446 = arith.addi %squeeze3A_439, %add3A_445 : i32
        %get3A_447 = arith.index_cast %add3A_437 : i32 to index
        %get3A_448 = arith.index_cast %add3A_446 : i32 to index
        %get3A_449 = tpu.vector_load %arg15[%get3A_447, %get3A_448] {strides = array<i32>} : memref<256x128xf32, #tpu.memory_space<vmem>>, vector<16xf32>,
        %get3A_450 = arith.index_cast %add3A_437 : i32 to index
        %get3A_451 = arith.index_cast %squeeze3A_441 : i32 to index
        %get3A_452 = tpu.vector_load %arg16[%get3A_450, %get3A_451] {strides = array<i32>} : memref<256x128xf32, #tpu.memory_space<vmem>>, vector<16xf32>,
        %add3A_453 = arith.constant 16 : i32
        %add3A_454 = arith.addi %squeeze3A_441, %add3A_453 : i32
        %get3A_455 = arith.index_cast %add3A_437 : i32 to index
        %get3A_456 = arith.index_cast %add3A_454 : i32 to index
        %get3A_457 = tpu.vector_load %arg16[%get3A_455, %get3A_456] {strides = array<i32>} : memref<256x128xf32, #tpu.memory_space<vmem>>, vector<16xf32>,
        %mul3A_458 = arith.mulf %get3A_444, %get3A_452 : vector<16xf32>
        %mul3A_459 = arith.mulf %mul3A_458, %get3A_9 : vector<16xf32>
        %mul3A_460 = arith.mulf %get3A_449, %get3A_457 : vector<16xf32>
        %mul3A_461 = arith.mulf %mul3A_460, %get3A_11 : vector<16xf32>
        %add3A_462 = arith.addf %mul3A_459, %mul3A_461 : vector<16xf32>
        %eq3A_463 = arith.constant 9 : i32
        %eq3A_464 = vector.broadcast %eq3A_463 : i32 to vector<16xi32>
        %eq3A_465 = arith.cmpi eq, %iota3A, %eq3A_464 : vector<16xi32>
        %reduce_sum3A_466 = arith.constant true
        %reduce_sum3A_467 = vector.broadcast %reduce_sum3A_466 : i1 to vector<16xi1>
        %reduce_sum3A_468 = tpu.scan <sum>, %add3A_462 masked %reduce_sum3A_467 : vector<16xf32>, vector<16xi1> -> vector<16xf32>
        %reduce_sum3A_469 = vector.extract %reduce_sum3A_468[15] : f32 from vector<16xf32>
        %broadcast_in_dim3A_470 = vector.broadcast %reduce_sum3A_469 : f32 to vector<16xf32>
        %select_n3A_471 = arith.select %eq3A_465, %broadcast_in_dim3A_470, %select_n3A_435 : vector<16xi1>, vector<16xf32>
        %add3A_472 = arith.constant 10 : i32
        %add3A_473 = arith.addi %mul3A_110, %add3A_472 : i32
        %slice3A_474 = vector.extract_strided_slice %get3A_113 {offsets = [10], sizes = [1], strides = [1]} : vector<16xi32> to vector<1xi32>
        %squeeze3A_475 = vector.extract %slice3A_474[0] : i32 from vector<1xi32>
        %slice3A_476 = vector.extract_strided_slice %get3A_115 {offsets = [10], sizes = [1], strides = [1]} : vector<16xi32> to vector<1xi32>
        %squeeze3A_477 = vector.extract %slice3A_476[0] : i32 from vector<1xi32>
        %get3A_478 = arith.index_cast %add3A_473 : i32 to index
        %get3A_479 = arith.index_cast %squeeze3A_475 : i32 to index
        %get3A_480 = tpu.vector_load %arg15[%get3A_478, %get3A_479] {strides = array<i32>} : memref<256x128xf32, #tpu.memory_space<vmem>>, vector<16xf32>,
        %add3A_481 = arith.constant 16 : i32
        %add3A_482 = arith.addi %squeeze3A_475, %add3A_481 : i32
        %get3A_483 = arith.index_cast %add3A_473 : i32 to index
        %get3A_484 = arith.index_cast %add3A_482 : i32 to index
        %get3A_485 = tpu.vector_load %arg15[%get3A_483, %get3A_484] {strides = array<i32>} : memref<256x128xf32, #tpu.memory_space<vmem>>, vector<16xf32>,
        %get3A_486 = arith.index_cast %add3A_473 : i32 to index
        %get3A_487 = arith.index_cast %squeeze3A_477 : i32 to index
        %get3A_488 = tpu.vector_load %arg16[%get3A_486, %get3A_487] {strides = array<i32>} : memref<256x128xf32, #tpu.memory_space<vmem>>, vector<16xf32>,
        %add3A_489 = arith.constant 16 : i32
        %add3A_490 = arith.addi %squeeze3A_477, %add3A_489 : i32
        %get3A_491 = arith.index_cast %add3A_473 : i32 to index
        %get3A_492 = arith.index_cast %add3A_490 : i32 to index
        %get3A_493 = tpu.vector_load %arg16[%get3A_491, %get3A_492] {strides = array<i32>} : memref<256x128xf32, #tpu.memory_space<vmem>>, vector<16xf32>,
        %mul3A_494 = arith.mulf %get3A_480, %get3A_488 : vector<16xf32>
        %mul3A_495 = arith.mulf %mul3A_494, %get3A_9 : vector<16xf32>
        %mul3A_496 = arith.mulf %get3A_485, %get3A_493 : vector<16xf32>
        %mul3A_497 = arith.mulf %mul3A_496, %get3A_11 : vector<16xf32>
        %add3A_498 = arith.addf %mul3A_495, %mul3A_497 : vector<16xf32>
        %eq3A_499 = arith.constant 10 : i32
        %eq3A_500 = vector.broadcast %eq3A_499 : i32 to vector<16xi32>
        %eq3A_501 = arith.cmpi eq, %iota3A, %eq3A_500 : vector<16xi32>
        %reduce_sum3A_502 = arith.constant true
        %reduce_sum3A_503 = vector.broadcast %reduce_sum3A_502 : i1 to vector<16xi1>
        %reduce_sum3A_504 = tpu.scan <sum>, %add3A_498 masked %reduce_sum3A_503 : vector<16xf32>, vector<16xi1> -> vector<16xf32>
        %reduce_sum3A_505 = vector.extract %reduce_sum3A_504[15] : f32 from vector<16xf32>
        %broadcast_in_dim3A_506 = vector.broadcast %reduce_sum3A_505 : f32 to vector<16xf32>
        %select_n3A_507 = arith.select %eq3A_501, %broadcast_in_dim3A_506, %select_n3A_471 : vector<16xi1>, vector<16xf32>
        %add3A_508 = arith.constant 11 : i32
        %add3A_509 = arith.addi %mul3A_110, %add3A_508 : i32
        %slice3A_510 = vector.extract_strided_slice %get3A_113 {offsets = [11], sizes = [1], strides = [1]} : vector<16xi32> to vector<1xi32>
        %squeeze3A_511 = vector.extract %slice3A_510[0] : i32 from vector<1xi32>
        %slice3A_512 = vector.extract_strided_slice %get3A_115 {offsets = [11], sizes = [1], strides = [1]} : vector<16xi32> to vector<1xi32>
        %squeeze3A_513 = vector.extract %slice3A_512[0] : i32 from vector<1xi32>
        %get3A_514 = arith.index_cast %add3A_509 : i32 to index
        %get3A_515 = arith.index_cast %squeeze3A_511 : i32 to index
        %get3A_516 = tpu.vector_load %arg15[%get3A_514, %get3A_515] {strides = array<i32>} : memref<256x128xf32, #tpu.memory_space<vmem>>, vector<16xf32>,
        %add3A_517 = arith.constant 16 : i32
        %add3A_518 = arith.addi %squeeze3A_511, %add3A_517 : i32
        %get3A_519 = arith.index_cast %add3A_509 : i32 to index
        %get3A_520 = arith.index_cast %add3A_518 : i32 to index
        %get3A_521 = tpu.vector_load %arg15[%get3A_519, %get3A_520] {strides = array<i32>} : memref<256x128xf32, #tpu.memory_space<vmem>>, vector<16xf32>,
        %get3A_522 = arith.index_cast %add3A_509 : i32 to index
        %get3A_523 = arith.index_cast %squeeze3A_513 : i32 to index
        %get3A_524 = tpu.vector_load %arg16[%get3A_522, %get3A_523] {strides = array<i32>} : memref<256x128xf32, #tpu.memory_space<vmem>>, vector<16xf32>,
        %add3A_525 = arith.constant 16 : i32
        %add3A_526 = arith.addi %squeeze3A_513, %add3A_525 : i32
        %get3A_527 = arith.index_cast %add3A_509 : i32 to index
        %get3A_528 = arith.index_cast %add3A_526 : i32 to index
        %get3A_529 = tpu.vector_load %arg16[%get3A_527, %get3A_528] {strides = array<i32>} : memref<256x128xf32, #tpu.memory_space<vmem>>, vector<16xf32>,
        %mul3A_530 = arith.mulf %get3A_516, %get3A_524 : vector<16xf32>
        %mul3A_531 = arith.mulf %mul3A_530, %get3A_9 : vector<16xf32>
        %mul3A_532 = arith.mulf %get3A_521, %get3A_529 : vector<16xf32>
        %mul3A_533 = arith.mulf %mul3A_532, %get3A_11 : vector<16xf32>
        %add3A_534 = arith.addf %mul3A_531, %mul3A_533 : vector<16xf32>
        %eq3A_535 = arith.constant 11 : i32
        %eq3A_536 = vector.broadcast %eq3A_535 : i32 to vector<16xi32>
        %eq3A_537 = arith.cmpi eq, %iota3A, %eq3A_536 : vector<16xi32>
        %reduce_sum3A_538 = arith.constant true
        %reduce_sum3A_539 = vector.broadcast %reduce_sum3A_538 : i1 to vector<16xi1>
        %reduce_sum3A_540 = tpu.scan <sum>, %add3A_534 masked %reduce_sum3A_539 : vector<16xf32>, vector<16xi1> -> vector<16xf32>
        %reduce_sum3A_541 = vector.extract %reduce_sum3A_540[15] : f32 from vector<16xf32>
        %broadcast_in_dim3A_542 = vector.broadcast %reduce_sum3A_541 : f32 to vector<16xf32>
        %select_n3A_543 = arith.select %eq3A_537, %broadcast_in_dim3A_542, %select_n3A_507 : vector<16xi1>, vector<16xf32>
        %add3A_544 = arith.constant 12 : i32
        %add3A_545 = arith.addi %mul3A_110, %add3A_544 : i32
        %slice3A_546 = vector.extract_strided_slice %get3A_113 {offsets = [12], sizes = [1], strides = [1]} : vector<16xi32> to vector<1xi32>
        %squeeze3A_547 = vector.extract %slice3A_546[0] : i32 from vector<1xi32>
        %slice3A_548 = vector.extract_strided_slice %get3A_115 {offsets = [12], sizes = [1], strides = [1]} : vector<16xi32> to vector<1xi32>
        %squeeze3A_549 = vector.extract %slice3A_548[0] : i32 from vector<1xi32>
        %get3A_550 = arith.index_cast %add3A_545 : i32 to index
        %get3A_551 = arith.index_cast %squeeze3A_547 : i32 to index
        %get3A_552 = tpu.vector_load %arg15[%get3A_550, %get3A_551] {strides = array<i32>} : memref<256x128xf32, #tpu.memory_space<vmem>>, vector<16xf32>,
        %add3A_553 = arith.constant 16 : i32
        %add3A_554 = arith.addi %squeeze3A_547, %add3A_553 : i32
        %get3A_555 = arith.index_cast %add3A_545 : i32 to index
        %get3A_556 = arith.index_cast %add3A_554 : i32 to index
        %get3A_557 = tpu.vector_load %arg15[%get3A_555, %get3A_556] {strides = array<i32>} : memref<256x128xf32, #tpu.memory_space<vmem>>, vector<16xf32>,
        %get3A_558 = arith.index_cast %add3A_545 : i32 to index
        %get3A_559 = arith.index_cast %squeeze3A_549 : i32 to index
        %get3A_560 = tpu.vector_load %arg16[%get3A_558, %get3A_559] {strides = array<i32>} : memref<256x128xf32, #tpu.memory_space<vmem>>, vector<16xf32>,
        %add3A_561 = arith.constant 16 : i32
        %add3A_562 = arith.addi %squeeze3A_549, %add3A_561 : i32
        %get3A_563 = arith.index_cast %add3A_545 : i32 to index
        %get3A_564 = arith.index_cast %add3A_562 : i32 to index
        %get3A_565 = tpu.vector_load %arg16[%get3A_563, %get3A_564] {strides = array<i32>} : memref<256x128xf32, #tpu.memory_space<vmem>>, vector<16xf32>,
        %mul3A_566 = arith.mulf %get3A_552, %get3A_560 : vector<16xf32>
        %mul3A_567 = arith.mulf %mul3A_566, %get3A_9 : vector<16xf32>
        %mul3A_568 = arith.mulf %get3A_557, %get3A_565 : vector<16xf32>
        %mul3A_569 = arith.mulf %mul3A_568, %get3A_11 : vector<16xf32>
        %add3A_570 = arith.addf %mul3A_567, %mul3A_569 : vector<16xf32>
        %eq3A_571 = arith.constant 12 : i32
        %eq3A_572 = vector.broadcast %eq3A_571 : i32 to vector<16xi32>
        %eq3A_573 = arith.cmpi eq, %iota3A, %eq3A_572 : vector<16xi32>
        %reduce_sum3A_574 = arith.constant true
        %reduce_sum3A_575 = vector.broadcast %reduce_sum3A_574 : i1 to vector<16xi1>
        %reduce_sum3A_576 = tpu.scan <sum>, %add3A_570 masked %reduce_sum3A_575 : vector<16xf32>, vector<16xi1> -> vector<16xf32>
        %reduce_sum3A_577 = vector.extract %reduce_sum3A_576[15] : f32 from vector<16xf32>
        %broadcast_in_dim3A_578 = vector.broadcast %reduce_sum3A_577 : f32 to vector<16xf32>
        %select_n3A_579 = arith.select %eq3A_573, %broadcast_in_dim3A_578, %select_n3A_543 : vector<16xi1>, vector<16xf32>
        %add3A_580 = arith.constant 13 : i32
        %add3A_581 = arith.addi %mul3A_110, %add3A_580 : i32
        %slice3A_582 = vector.extract_strided_slice %get3A_113 {offsets = [13], sizes = [1], strides = [1]} : vector<16xi32> to vector<1xi32>
        %squeeze3A_583 = vector.extract %slice3A_582[0] : i32 from vector<1xi32>
        %slice3A_584 = vector.extract_strided_slice %get3A_115 {offsets = [13], sizes = [1], strides = [1]} : vector<16xi32> to vector<1xi32>
        %squeeze3A_585 = vector.extract %slice3A_584[0] : i32 from vector<1xi32>
        %get3A_586 = arith.index_cast %add3A_581 : i32 to index
        %get3A_587 = arith.index_cast %squeeze3A_583 : i32 to index
        %get3A_588 = tpu.vector_load %arg15[%get3A_586, %get3A_587] {strides = array<i32>} : memref<256x128xf32, #tpu.memory_space<vmem>>, vector<16xf32>,
        %add3A_589 = arith.constant 16 : i32
        %add3A_590 = arith.addi %squeeze3A_583, %add3A_589 : i32
        %get3A_591 = arith.index_cast %add3A_581 : i32 to index
        %get3A_592 = arith.index_cast %add3A_590 : i32 to index
        %get3A_593 = tpu.vector_load %arg15[%get3A_591, %get3A_592] {strides = array<i32>} : memref<256x128xf32, #tpu.memory_space<vmem>>, vector<16xf32>,
        %get3A_594 = arith.index_cast %add3A_581 : i32 to index
        %get3A_595 = arith.index_cast %squeeze3A_585 : i32 to index
        %get3A_596 = tpu.vector_load %arg16[%get3A_594, %get3A_595] {strides = array<i32>} : memref<256x128xf32, #tpu.memory_space<vmem>>, vector<16xf32>,
        %add3A_597 = arith.constant 16 : i32
        %add3A_598 = arith.addi %squeeze3A_585, %add3A_597 : i32
        %get3A_599 = arith.index_cast %add3A_581 : i32 to index
        %get3A_600 = arith.index_cast %add3A_598 : i32 to index
        %get3A_601 = tpu.vector_load %arg16[%get3A_599, %get3A_600] {strides = array<i32>} : memref<256x128xf32, #tpu.memory_space<vmem>>, vector<16xf32>,
        %mul3A_602 = arith.mulf %get3A_588, %get3A_596 : vector<16xf32>
        %mul3A_603 = arith.mulf %mul3A_602, %get3A_9 : vector<16xf32>
        %mul3A_604 = arith.mulf %get3A_593, %get3A_601 : vector<16xf32>
        %mul3A_605 = arith.mulf %mul3A_604, %get3A_11 : vector<16xf32>
        %add3A_606 = arith.addf %mul3A_603, %mul3A_605 : vector<16xf32>
        %eq3A_607 = arith.constant 13 : i32
        %eq3A_608 = vector.broadcast %eq3A_607 : i32 to vector<16xi32>
        %eq3A_609 = arith.cmpi eq, %iota3A, %eq3A_608 : vector<16xi32>
        %reduce_sum3A_610 = arith.constant true
        %reduce_sum3A_611 = vector.broadcast %reduce_sum3A_610 : i1 to vector<16xi1>
        %reduce_sum3A_612 = tpu.scan <sum>, %add3A_606 masked %reduce_sum3A_611 : vector<16xf32>, vector<16xi1> -> vector<16xf32>
        %reduce_sum3A_613 = vector.extract %reduce_sum3A_612[15] : f32 from vector<16xf32>
        %broadcast_in_dim3A_614 = vector.broadcast %reduce_sum3A_613 : f32 to vector<16xf32>
        %select_n3A_615 = arith.select %eq3A_609, %broadcast_in_dim3A_614, %select_n3A_579 : vector<16xi1>, vector<16xf32>
        %add3A_616 = arith.constant 14 : i32
        %add3A_617 = arith.addi %mul3A_110, %add3A_616 : i32
        %slice3A_618 = vector.extract_strided_slice %get3A_113 {offsets = [14], sizes = [1], strides = [1]} : vector<16xi32> to vector<1xi32>
        %squeeze3A_619 = vector.extract %slice3A_618[0] : i32 from vector<1xi32>
        %slice3A_620 = vector.extract_strided_slice %get3A_115 {offsets = [14], sizes = [1], strides = [1]} : vector<16xi32> to vector<1xi32>
        %squeeze3A_621 = vector.extract %slice3A_620[0] : i32 from vector<1xi32>
        %get3A_622 = arith.index_cast %add3A_617 : i32 to index
        %get3A_623 = arith.index_cast %squeeze3A_619 : i32 to index
        %get3A_624 = tpu.vector_load %arg15[%get3A_622, %get3A_623] {strides = array<i32>} : memref<256x128xf32, #tpu.memory_space<vmem>>, vector<16xf32>,
        %add3A_625 = arith.constant 16 : i32
        %add3A_626 = arith.addi %squeeze3A_619, %add3A_625 : i32
        %get3A_627 = arith.index_cast %add3A_617 : i32 to index
        %get3A_628 = arith.index_cast %add3A_626 : i32 to index
        %get3A_629 = tpu.vector_load %arg15[%get3A_627, %get3A_628] {strides = array<i32>} : memref<256x128xf32, #tpu.memory_space<vmem>>, vector<16xf32>,
        %get3A_630 = arith.index_cast %add3A_617 : i32 to index
        %get3A_631 = arith.index_cast %squeeze3A_621 : i32 to index
        %get3A_632 = tpu.vector_load %arg16[%get3A_630, %get3A_631] {strides = array<i32>} : memref<256x128xf32, #tpu.memory_space<vmem>>, vector<16xf32>,
        %add3A_633 = arith.constant 16 : i32
        %add3A_634 = arith.addi %squeeze3A_621, %add3A_633 : i32
        %get3A_635 = arith.index_cast %add3A_617 : i32 to index
        %get3A_636 = arith.index_cast %add3A_634 : i32 to index
        %get3A_637 = tpu.vector_load %arg16[%get3A_635, %get3A_636] {strides = array<i32>} : memref<256x128xf32, #tpu.memory_space<vmem>>, vector<16xf32>,
        %mul3A_638 = arith.mulf %get3A_624, %get3A_632 : vector<16xf32>
        %mul3A_639 = arith.mulf %mul3A_638, %get3A_9 : vector<16xf32>
        %mul3A_640 = arith.mulf %get3A_629, %get3A_637 : vector<16xf32>
        %mul3A_641 = arith.mulf %mul3A_640, %get3A_11 : vector<16xf32>
        %add3A_642 = arith.addf %mul3A_639, %mul3A_641 : vector<16xf32>
        %eq3A_643 = arith.constant 14 : i32
        %eq3A_644 = vector.broadcast %eq3A_643 : i32 to vector<16xi32>
        %eq3A_645 = arith.cmpi eq, %iota3A, %eq3A_644 : vector<16xi32>
        %reduce_sum3A_646 = arith.constant true
        %reduce_sum3A_647 = vector.broadcast %reduce_sum3A_646 : i1 to vector<16xi1>
        %reduce_sum3A_648 = tpu.scan <sum>, %add3A_642 masked %reduce_sum3A_647 : vector<16xf32>, vector<16xi1> -> vector<16xf32>
        %reduce_sum3A_649 = vector.extract %reduce_sum3A_648[15] : f32 from vector<16xf32>
        %broadcast_in_dim3A_650 = vector.broadcast %reduce_sum3A_649 : f32 to vector<16xf32>
        %select_n3A_651 = arith.select %eq3A_645, %broadcast_in_dim3A_650, %select_n3A_615 : vector<16xi1>, vector<16xf32>
        %add3A_652 = arith.constant 15 : i32
        %add3A_653 = arith.addi %mul3A_110, %add3A_652 : i32
        %slice3A_654 = vector.extract_strided_slice %get3A_113 {offsets = [15], sizes = [1], strides = [1]} : vector<16xi32> to vector<1xi32>
        %squeeze3A_655 = vector.extract %slice3A_654[0] : i32 from vector<1xi32>
        %slice3A_656 = vector.extract_strided_slice %get3A_115 {offsets = [15], sizes = [1], strides = [1]} : vector<16xi32> to vector<1xi32>
        %squeeze3A_657 = vector.extract %slice3A_656[0] : i32 from vector<1xi32>
        %get3A_658 = arith.index_cast %add3A_653 : i32 to index
        %get3A_659 = arith.index_cast %squeeze3A_655 : i32 to index
        %get3A_660 = tpu.vector_load %arg15[%get3A_658, %get3A_659] {strides = array<i32>} : memref<256x128xf32, #tpu.memory_space<vmem>>, vector<16xf32>,
        %add3A_661 = arith.constant 16 : i32
        %add3A_662 = arith.addi %squeeze3A_655, %add3A_661 : i32
        %get3A_663 = arith.index_cast %add3A_653 : i32 to index
        %get3A_664 = arith.index_cast %add3A_662 : i32 to index
        %get3A_665 = tpu.vector_load %arg15[%get3A_663, %get3A_664] {strides = array<i32>} : memref<256x128xf32, #tpu.memory_space<vmem>>, vector<16xf32>,
        %get3A_666 = arith.index_cast %add3A_653 : i32 to index
        %get3A_667 = arith.index_cast %squeeze3A_657 : i32 to index
        %get3A_668 = tpu.vector_load %arg16[%get3A_666, %get3A_667] {strides = array<i32>} : memref<256x128xf32, #tpu.memory_space<vmem>>, vector<16xf32>,
        %add3A_669 = arith.constant 16 : i32
        %add3A_670 = arith.addi %squeeze3A_657, %add3A_669 : i32
        %get3A_671 = arith.index_cast %add3A_653 : i32 to index
        %get3A_672 = arith.index_cast %add3A_670 : i32 to index
        %get3A_673 = tpu.vector_load %arg16[%get3A_671, %get3A_672] {strides = array<i32>} : memref<256x128xf32, #tpu.memory_space<vmem>>, vector<16xf32>,
        %mul3A_674 = arith.mulf %get3A_660, %get3A_668 : vector<16xf32>
        %mul3A_675 = arith.mulf %mul3A_674, %get3A_9 : vector<16xf32>
        %mul3A_676 = arith.mulf %get3A_665, %get3A_673 : vector<16xf32>
        %mul3A_677 = arith.mulf %mul3A_676, %get3A_11 : vector<16xf32>
        %add3A_678 = arith.addf %mul3A_675, %mul3A_677 : vector<16xf32>
        %eq3A_679 = arith.constant 15 : i32
        %eq3A_680 = vector.broadcast %eq3A_679 : i32 to vector<16xi32>
        %eq3A_681 = arith.cmpi eq, %iota3A, %eq3A_680 : vector<16xi32>
        %reduce_sum3A_682 = arith.constant true
        %reduce_sum3A_683 = vector.broadcast %reduce_sum3A_682 : i1 to vector<16xi1>
        %reduce_sum3A_684 = tpu.scan <sum>, %add3A_678 masked %reduce_sum3A_683 : vector<16xf32>, vector<16xi1> -> vector<16xf32>
        %reduce_sum3A_685 = vector.extract %reduce_sum3A_684[15] : f32 from vector<16xf32>
        %broadcast_in_dim3A_686 = vector.broadcast %reduce_sum3A_685 : f32 to vector<16xf32>
        %select_n3A_687 = arith.select %eq3A_681, %broadcast_in_dim3A_686, %select_n3A_651 : vector<16xi1>, vector<16xf32>
        %add3A_688 = arith.addf %select_n3A_687, %get3A_13 : vector<16xf32>
        %neg3A = arith.constant 0.000000e+00 : f32
        %neg3A_689 = vector.broadcast %neg3A : f32 to vector<16xf32>
        %neg3A_690 = arith.subf %neg3A_689, %add3A_688 : vector<16xf32>
        %exp3A = math.exp %neg3A_690 : vector<16xf32>
        %add3A_691 = arith.constant 1.000000e+00 : f32
        %add3A_692 = vector.broadcast %add3A_691 : f32 to vector<16xf32>
        %add3A_693 = arith.addf %add3A_692, %exp3A : vector<16xf32>
        %div3A = arith.constant 1.000000e+00 : f32
        %div3A_694 = vector.broadcast %div3A : f32 to vector<16xf32>
        %div3A_695 = arith.divf %div3A_694, %add3A_693 : vector<16xf32>
        %swap3A = arith.index_cast %add3A_111 : i32 to index
        %swap3A_696 = tpu.vector_load %arg19[%swap3A] {strides = array<i32>} : memref<512xf32, #tpu.memory_space<vmem>>, vector<16xf32>,
        tpu.vector_store %arg19[%swap3A], %div3A_695 {strides = array<i32>} : memref<512xf32, #tpu.memory_space<vmem>>, vector<16xf32>,
      }
      %scan3A_107 = arith.constant 16 : i32
    }
    %scan3A_18 = arith.constant 2 : i32
    %mul3A_19 = arith.constant 512 : i32
    %mul3A_20 = arith.muli %add3A, %mul3A_19 : i32
    "tpu.region"() ({
      %run_scoped3A = tpu.sem_alloc : memref<!tpu.dma_semaphore, #tpu.memory_space<semaphore_mem>>
      %dma_start3A = tpu.memref_slice %arg10[%mul3A_20] : memref<16384xf32, #tpu.memory_space<hbm>> -> memref<512xf32, #tpu.memory_space<hbm>>
      %dma_start3A_21 = tpu.memref_slice %arg10[%mul3A_20] : memref<16384xf32, #tpu.memory_space<hbm>> -> memref<512xf32, #tpu.memory_space<hbm>>
      tpu.enqueue_dma source(%arg19 : memref<512xf32, #tpu.memory_space<vmem>>) target(%dma_start3A_21 : memref<512xf32, #tpu.memory_space<hbm>>) target_semaphore(%run_scoped3A : memref<!tpu.dma_semaphore, #tpu.memory_space<semaphore_mem>>)
      %dma_wait3A = tpu.memref_slice %arg10[%mul3A_20] : memref<16384xf32, #tpu.memory_space<hbm>> -> memref<512xf32, #tpu.memory_space<hbm>>
      %dma_wait3A_22 = tpu.memref_slice %arg10[%mul3A_20] : memref<16384xf32, #tpu.memory_space<hbm>> -> memref<512xf32, #tpu.memory_space<hbm>>
      tpu.wait_dma2 semaphore(%run_scoped3A : memref<!tpu.dma_semaphore, #tpu.memory_space<semaphore_mem>>) src(%arg19 : memref<512xf32, #tpu.memory_space<vmem>>) dst(%dma_wait3A_22 : memref<512xf32, #tpu.memory_space<hbm>>)
      tpu.yield
    }) : () -> ()
    return
  }
}

module attributes {stable_mosaic.version = 14 : i64} {
  func.func @_pack_body(%arg0: i32, %arg1: memref<32x16384xf32, #tpu.memory_space<vmem>>, %arg2: memref<32x16384xf32, #tpu.memory_space<vmem>>, %arg3: memref<4096x128xf32, #tpu.memory_space<vmem>>, %arg4: memref<4096x128xf32, #tpu.memory_space<vmem>>) attributes {dimension_semantics = [#tpu.dimension_semantics<arbitrary>], iteration_bounds = array<i64: 62>, scalar_prefetch = 0 : i64, scratch_operands = 0 : i64, tpu.core_type = #tpu.core_type<tc>, window_params = [{transform_indices = @transform_0, window_bounds = array<i64: 32, 16384>}, {transform_indices = @transform_1, window_bounds = array<i64: 32, 16384>}, {transform_indices = @transform_2, window_bounds = array<i64: 4096, 128>}, {transform_indices = @transform_3, window_bounds = array<i64: 4096, 128>}]} {
    %get3A = arith.constant 0 : index
    %get3A_0 = arith.constant 0 : index
    %get3A_1 = vector.load %arg1[%get3A, %get3A_0] : memref<32x16384xf32, #tpu.memory_space<vmem>>, vector<32x4096xf32>
    %transpose3A = tpu.transpose %get3A_1, [1, 0] : vector<32x4096xf32> -> vector<4096x32xf32>
    %get3A_2 = arith.constant 0 : index
    %get3A_3 = arith.constant 4096 : index
    %get3A_4 = vector.load %arg1[%get3A_2, %get3A_3] : memref<32x16384xf32, #tpu.memory_space<vmem>>, vector<32x4096xf32>
    %transpose3A_5 = tpu.transpose %get3A_4, [1, 0] : vector<32x4096xf32> -> vector<4096x32xf32>
    %get3A_6 = arith.constant 0 : index
    %get3A_7 = arith.constant 8192 : index
    %get3A_8 = vector.load %arg1[%get3A_6, %get3A_7] : memref<32x16384xf32, #tpu.memory_space<vmem>>, vector<32x4096xf32>
    %transpose3A_9 = tpu.transpose %get3A_8, [1, 0] : vector<32x4096xf32> -> vector<4096x32xf32>
    %get3A_10 = arith.constant 0 : index
    %get3A_11 = arith.constant 12288 : index
    %get3A_12 = vector.load %arg1[%get3A_10, %get3A_11] : memref<32x16384xf32, #tpu.memory_space<vmem>>, vector<32x4096xf32>
    %transpose3A_13 = tpu.transpose %get3A_12, [1, 0] : vector<32x4096xf32> -> vector<4096x32xf32>
    %concatenate3A = tpu.concatenate %transpose3A, %transpose3A_5, %transpose3A_9, %transpose3A_13 in 1 : vector<4096x32xf32>, vector<4096x32xf32>, vector<4096x32xf32>, vector<4096x32xf32> -> vector<4096x128xf32>
    %swap3A = arith.constant 0 : index
    %swap3A_14 = arith.constant 0 : index
    %swap3A_15 = vector.load %arg3[%swap3A, %swap3A_14] : memref<4096x128xf32, #tpu.memory_space<vmem>>, vector<4096x128xf32>
    tpu.vector_store %arg3[%swap3A, %swap3A_14], %concatenate3A {strides = array<i32>} : memref<4096x128xf32, #tpu.memory_space<vmem>>, vector<4096x128xf32>,
    %get3A_16 = arith.constant 0 : index
    %get3A_17 = arith.constant 0 : index
    %get3A_18 = vector.load %arg2[%get3A_16, %get3A_17] : memref<32x16384xf32, #tpu.memory_space<vmem>>, vector<32x4096xf32>
    %transpose3A_19 = tpu.transpose %get3A_18, [1, 0] : vector<32x4096xf32> -> vector<4096x32xf32>
    %get3A_20 = arith.constant 0 : index
    %get3A_21 = arith.constant 4096 : index
    %get3A_22 = vector.load %arg2[%get3A_20, %get3A_21] : memref<32x16384xf32, #tpu.memory_space<vmem>>, vector<32x4096xf32>
    %transpose3A_23 = tpu.transpose %get3A_22, [1, 0] : vector<32x4096xf32> -> vector<4096x32xf32>
    %get3A_24 = arith.constant 0 : index
    %get3A_25 = arith.constant 8192 : index
    %get3A_26 = vector.load %arg2[%get3A_24, %get3A_25] : memref<32x16384xf32, #tpu.memory_space<vmem>>, vector<32x4096xf32>
    %transpose3A_27 = tpu.transpose %get3A_26, [1, 0] : vector<32x4096xf32> -> vector<4096x32xf32>
    %get3A_28 = arith.constant 0 : index
    %get3A_29 = arith.constant 12288 : index
    %get3A_30 = vector.load %arg2[%get3A_28, %get3A_29] : memref<32x16384xf32, #tpu.memory_space<vmem>>, vector<32x4096xf32>
    %transpose3A_31 = tpu.transpose %get3A_30, [1, 0] : vector<32x4096xf32> -> vector<4096x32xf32>
    %concatenate3A_32 = tpu.concatenate %transpose3A_19, %transpose3A_23, %transpose3A_27, %transpose3A_31 in 1 : vector<4096x32xf32>, vector<4096x32xf32>, vector<4096x32xf32>, vector<4096x32xf32> -> vector<4096x128xf32>
    %swap3A_33 = arith.constant 0 : index
    %swap3A_34 = arith.constant 0 : index
    %swap3A_35 = vector.load %arg4[%swap3A_33, %swap3A_34] : memref<4096x128xf32, #tpu.memory_space<vmem>>, vector<4096x128xf32>
    tpu.vector_store %arg4[%swap3A_33, %swap3A_34], %concatenate3A_32 {strides = array<i32>} : memref<4096x128xf32, #tpu.memory_space<vmem>>, vector<4096x128xf32>,
    return
  }
  func.func @transform_0(%arg0: i32) -> (i32, i32) {
    %c0_i32 = arith.constant 0 : i32
    %c0_i32_0 = arith.constant 0 : i32
    return %c0_i32, %arg0 : i32, i32
  }
  func.func @transform_1(%arg0: i32) -> (i32, i32) {
    %c0_i32 = arith.constant 0 : i32
    %c0_i32_0 = arith.constant 0 : i32
    return %c0_i32, %arg0 : i32, i32
  }
  func.func @transform_2(%arg0: i32) -> (i32, i32) {
    %c0_i32 = arith.constant 0 : i32
    %c0_i32_0 = arith.constant 0 : i32
    return %arg0, %c0_i32 : i32, i32
  }
  func.func @transform_3(%arg0: i32) -> (i32, i32) {
    %c0_i32 = arith.constant 0 : i32
    %c0_i32_0 = arith.constant 0 : i32
    return %arg0, %c0_i32 : i32, i32
  }
}

</mosaic_0001>

<sc_bundles>
// kernel: kernel.4.cloned.1.call-start
scs
__scs_entry_jumppad:
0x0: {  	(pc) =	sbr.rel $0x88, $3  }
0x1: {  	(tag) =	ssettag $0x0;
	lr =	simm.s32 $0x1  }
0x2: {  	[smem:$0x3F9B] =	sst lr;
	_ =	strace $0xD0000000  }
0x3: {  	_ = 	snop  }
0x4: {  	_ = 	snop  }
0x5: {  	_ = 	snop  }
0x6: {  	_ = 	snop  }
0x7: {  	_ = 	snop  }
__scs_overlays_trampoline_lowered:
0x8: {  	[smem:$0x3FAA] =	sst s0  }
0x9: {  	[smem:$0x3FAB] =	sst s1  }
0xa: {  	[smem:$0x3FAC] =	sst s2  }
0xb: {  	[smem:$0x3FAD] =	sst s3  }
0xc: {  	[smem:$0x3FAE] =	sst s4  }
0xd: {  	[smem:$0x3FAF] =	sst s5  }
0xe: {  	[smem:$0x3FB0] =	sst s6  }
0xf: {  	[smem:$0x3FB1] =	sst s7  }
0x10: {  	[smem:$0x3FB2] =	sst s8  }
0x11: {  	[smem:$0x3FB3] =	sst s9;
	s0 =	simm.s32 @!p0 $0x0  }
0x12: {  	s1 =	sld [smem:$0x3F99];
	s0 =	simm.s32 @p0 $0x1  }
0x13: {  	[smem:$0x3FB4] =	sst s0;
	s0 =	simm.s32 @!p1 $0x0  }
0x14: {  	s2 =	sld [smem:$0x3F98];
	s0 =	simm.s32 @p1 $0x1  }
0x15: {  	[smem:$0x3FB5] =	sst s0;
	s0 =	simm.s32 @!p2 $0x0  }
0x16: {  	s3 =	sld [smem:$0x3FDB];
	s0 =	simm.s32 @p2 $0x1  }
0x17: {  	s4 =	simm.s32 $0x1BF5;
	[smem:$0x3FB7] =	sst s0  }
0x18: {  	s0 =	sld [smem:$0x3F9A];
	_ =	swait.ge [sflag:s4], $0x0  }
0x19: {  	s7 =	sld [smem:$0x3F9B]  }
0x1a: {  	s8 =	sadd.s32 $0xFFFFE003, lr  }
0x1b: {  	s9 =	sadd.s32 $0xFFFFFEF7, lr;
	s5 =	simm.s32 $0xFFFFFFFF;
	p2 =	slt.u32 s8, $0xFFFFF086  }
0x1c: {  	p1 =	slt.u32 s9, $0xF7A;
	s5 =	simm.s32 @!p2 $0x0  }
0x1d: {  	s5 =	simm.s32 @p1 $0x1;
	p0 =	seq.s32 s7, s2  }
0x1e: {  	s7 =	smul.u32 @!p0 $0xF7A, s2;
	p2 =	seq.s32 @!p0 s5, $0x0  }
0x1f: {  	s9 =	smul.u32 $0xF7A, s1;
	s8 =	simm.s32 @!p0 $0x1BF5;
	p2 =	por !p2, p0  }
0x20: {  	[sflag:s8] =	ssyncset.s32 @!p0 $0xFFFFF086;
	s6 =	sadd.s32 @!p0 s3, s7;
	s7 =	simm.s32 @!p0 $0x108  }
0x21: {  	s3 =	sadd.s32 s3, s9;
	s6 =	sadd.s32 @!p0 $0x88, s6;
	s7 =	simm.s32 @p2 $0x1082  }
0x22: {  	[simem:s7], [sflag:s8] =	dma.local @!p0 [hbm:s6], $0xF7A  }
0x23: {  	s9 =	sor.u32 $0xD0000000, s2;
	s6 =	simm.s32 $0x108;
	_ =	swait.ge @!p0 [sflag:s8], $0x0  }
0x24: {  	s3 =	sadd.s32 $0x88, s3;
	s6 =	simm.s32 @!p1 $0x1082;
	[sflag:s4] =	ssyncset.s32 $0xFFFFF086  }
0x25: {  	[simem:s6], [sflag:s4] =	dma.local [hbm:s3], $0xF7A  }
0x26: {  	[smem:$0x3F9B] =	sst s1;
	(tag) =	ssettag s2;
	_ =	strace s9  }
0x27: {  	s1 =	sld [smem:$0x3FAB]  }
0x28: {  	s2 =	sld [smem:$0x3FAC]  }
0x29: {  	s4 =	sld [smem:$0x3FAE]  }
0x2a: {  	p0 =	seq.s32 s5, $0x0;
	s5 =	sld [smem:$0x3FAF]  }
0x2b: {  	s6 =	sld [smem:$0x3FB0]  }
0x2c: {  	s7 =	sld [smem:$0x3FB1]  }
0x2d: {  	s3 =	simm.s32 $0x108;
	s8 =	sld [smem:$0x3FB2]  }
0x2e: {  	s3 =	simm.s32 @!p0 $0x1082;
	s9 =	sld [smem:$0x3FB3]  }
0x2f: {  	lr =	sadd.s32 s0, s3;
	s0 =	sld [smem:$0x3FAA]  }
0x30: {  	s3 =	sld [smem:$0x3FAD]  }
0x31: {  	[smem:$0x3FB6] =	sst s10  }
0x32: {  	s10 =	sld [smem:$0x3FB4];
	_ =	sdelay $0x3  }
0x33: {  	p0 =	seq.s32 s10, $0x1;
	s10 =	sld [smem:$0x3FB6];
	_ =	sdelay $0x3  }
0x34: {  	[smem:$0x3FB6] =	sst s10  }
0x35: {  	s10 =	sld [smem:$0x3FB5];
	_ =	sdelay $0x3  }
0x36: {  	p1 =	seq.s32 s10, $0x1;
	s10 =	sld [smem:$0x3FB6];
	_ =	sdelay $0x3  }
0x37: {  	[smem:$0x3FB6] =	sst s10  }
0x38: {  	s10 =	sld [smem:$0x3FB7]  }
0x39: {  	_ = 	snop;
	(pc) =	sbr.ind lr, $3  }
0x3a: {  	_ = 	snop  }
0x3b: {  	_ = 	snop  }
0x3c: {  	p2 =	seq.s32 s10, $0x1;
	s10 =	sld [smem:$0x3FB6]  }
0x3d: {  	_ =	shalt  }
0x3e: {  	_ =	shalt  }
0x3f: {  	_ =	shalt  }
0x40: {  	_ =	shalt  }
0x41: {  	_ =	shalt  }
0x42: {  	_ =	shalt  }
0x43: {  	_ =	shalt  }
0x44: {  	_ =	shalt  }
0x45: {  	_ =	shalt  }
0x46: {  	_ =	shalt  }
0x47: {  	_ =	shalt  }
0x48: {  	_ =	shalt  }
0x49: {  	_ =	shalt  }
0x4a: {  	_ =	shalt  }
0x4b: {  	_ =	shalt  }
0x4c: {  	_ =	shalt  }
0x4d: {  	_ =	shalt  }
0x4e: {  	_ =	shalt  }
0x4f: {  	_ =	shalt  }
0x50: {  	_ =	shalt  }
0x51: {  	_ =	shalt  }
0x52: {  	_ =	shalt  }
0x53: {  	_ =	shalt  }
0x54: {  	_ =	shalt  }
0x55: {  	_ =	shalt  }
0x56: {  	_ =	shalt  }
0x57: {  	_ =	shalt  }
0x58: {  	_ =	shalt  }
0x59: {  	_ =	shalt  }
0x5a: {  	_ =	shalt  }
0x5b: {  	_ =	shalt  }
0x5c: {  	_ =	shalt  }
0x5d: {  	_ =	shalt  }
0x5e: {  	_ =	shalt  }
0x5f: {  	_ =	shalt  }
0x60: {  	_ =	shalt  }
0x61: {  	_ =	shalt  }
0x62: {  	_ =	shalt  }
0x63: {  	_ =	shalt  }
0x64: {  	_ =	shalt  }
0x65: {  	_ =	shalt  }
0x66: {  	_ =	shalt  }
0x67: {  	_ =	shalt  }
0x68: {  	_ =	shalt  }
0x69: {  	_ =	shalt  }
0x6a: {  	_ =	shalt  }
0x6b: {  	_ =	shalt  }
0x6c: {  	_ =	shalt  }
0x6d: {  	_ =	shalt  }
0x6e: {  	_ =	shalt  }
0x6f: {  	_ =	shalt  }
0x70: {  	_ =	shalt  }
0x71: {  	_ =	shalt  }
0x72: {  	_ =	shalt  }
0x73: {  	_ =	shalt  }
0x74: {  	_ =	shalt  }
0x75: {  	_ =	shalt  }
0x76: {  	_ =	shalt  }
0x77: {  	_ =	shalt  }
0x78: {  	_ =	shalt  }
0x79: {  	_ =	shalt  }
0x7a: {  	_ =	shalt  }
0x7b: {  	_ =	shalt  }
0x7c: {  	_ =	shalt  }
0x7d: {  	_ =	shalt  }
0x7e: {  	_ =	shalt  }
0x7f: {  	_ =	shalt  }
0x80: {  	_ =	shalt  }
0x81: {  	_ =	shalt  }
0x82: {  	_ =	shalt  }
0x83: {  	_ =	shalt  }
0x84: {  	_ =	shalt  }
0x85: {  	_ =	shalt  }
0x86: {  	_ =	shalt  }
0x87: {  	_ =	shalt  }
.Lfunc_end0:
.L_simem_size_0:
called_computation_lowered:
.L_overlay_start_0:
0x88: {  	s2 =	sld [smem:$0x3FD9]  }
0x89: {  	s3 =	sld [smem:$0x3FFE];
	_ =	sdelay $0x1  }
0x8a: {  	s1 =	srdreg.scid  }
0x8b: {  	s0 =	sand.u32 $0x1, s1  }
0x8c: {  	s17 =	sshll.u32 s0, $0xA;
	s2 =	sadd.s32 s3, s2  }
0x8d: {  	s2 =	sadd.s32 s2, s17  }
0x8e: {  	[smem:$0x3FC2] =	sst s2  }
0x8f: {  	_ = 	snop  }
0x90: {  	s2 =	sld [smem:$0x3FC5]  }
0x91: {  	s18 =	sld [smem:$0x3FD0];
	(tm) =	ssettm $0x1  }
0x92: {  	s4 =	sld [smem:$0x3FFB];
	_ =	sdelay $0x3  }
0x93: {  	_ =	strace s4  }
0x94: {  	s4 =	sld [smem:$0x3FFC];
	_ =	sdelay $0x3  }
0x95: {  	_ =	strace s4  }
0x96: {  	s4 =	sld [smem:$0x3FFD];
	_ =	sdelay $0x3  }
0x97: {  	_ =	strace s4  }
0x98: {  	_ =	strace $0x8FFFFFFF  }
0x99: {  	s19 =	sld [smem:$0x3FDB];
	_ =	sdelay $0x1  }
0x9a: {  	s5 =	simm.s32 $_scs_section_size  }
0x9b: {  	s6 =	simm.s32 $_size__tile_overlayer_lowered;
	s7 =	simm.s32 $_tile_overlayer_lowered  }
0x9c: {  	s22 =	simm.s32 $0x1BFF;
	s21 =	sshll.u32 s7, $0x1;
	s4 =	sadd.s32 s5, s19  }
0x9d: {  	s8 =	simm.s32 $0x0;
	s20 =	sshll.u32 s6, $0x1;
	s6 =	sadd.s32 s21, s4  }
0x9e: {  	[timem:s8], [sflag:s22] =	dma.local [hbm:s6], s20  }
0x9f: {  	_ =	swait.ge [sflag:s22], s20  }
0xa0: {  	s5 =	ssub.s32 $0x0, s20;
	[sflag:s22] =	ssyncset.done $0x0  }
0xa1: {  	[sflag:s22] =	ssyncadd.s32 s5;
	_ =	sdelay $0x1  }
0xa2: {  	s23 =	simm.s32 $0x1B8B  }
0xa3: {  	_ =	swait.ge [sflag:s23], $0x1  }
0xa4: {  	[sflag:s23] =	ssyncset.done $0x0  }
0xa5: {  	s25 =	simm.s32 $0x1B8E;
	s24 =	sld [smem:$0x3FFE];
	[sflag:s23] =	ssyncadd.s32 $0xFFFFFFFF  }
0xa6: {  	s26 =	simm.s32 $execute0_lowered;
	[smem:$0x3FD2] =	sst s25  }
0xa7: {  	s6 =	sshll.u32 s26, $0x1;
	_ =	strace $0x80000046;
	[dreg:$0x1] =	wrdreg $0xFFFFFFFF  }
0xa8: {  	s28 =	simm.s32 $_size_execute0_lowered;
	s4 =	sadd.s32 s4, s6;
	[dreg:$0x0] =	wrdreg $0x0  }
0xa9: {  	s6 =	sshll.u32 s28, $0x1;
	[dreg:$0x2] =	wrdreg s4  }
0xaa: {  	[dreg:$0x3] =	wrdreg s6  }
0xab: {  	[dreg:$0x4] =	wrdreg $0xC0  }
0xac: {  	_ =	task [dreg:s8], $0x5FFFF  }
0xad: {  	[dreg:$0x1] =	wrdreg $0xFFFFFFFF  }
0xae: {  	[dreg:$0x0] =	wrdreg $0x60  }
0xaf: {  	[dreg:$0x2] =	wrdreg s24  }
0xb0: {  	[dreg:$0x3] =	wrdreg s2  }
0xb1: {  	[dreg:$0x4] =	wrdreg s18  }
0xb2: {  	[dreg:$0x5] =	wrdreg $0x9  }
0xb3: {  	_ =	task.clear_ibuf [dreg:s8], $0x6FFFF;
	_ =	strace $0x90000046  }
0xb4: {  	s29 =	simm.s32 $0x9;
	_ =	strace $0x80000048  }
0xb5: {  	_ =	swait.ge [sflag:s29], $0x1  }
0xb6: {  	[sflag:s29] =	ssyncadd.s32 $0xFFFFFFFF  }
0xb7: {  	_ =	strace $0x90000048  }
0xb8: {  	_ =	sfence  }
0xb9: {  	s30 =	sld [smem:$0x0];
	_ =	sdelay $0x2  }
0xba: {  	s31 =	sshll.u32 s1, $0xD;
	s1 =	sshrl.u32 s1, $0x2  }
0xbb: {  	s3 =	sand.u32 $0x4000, s31;
	s1 =	sadd.s32 s1, s30  }
0xbc: {  	s0 =	sor.u32 s3, s0;
	s1 =	sshll.u32 s1, $0x11  }
0xbd: {  	s0 =	sor.u32 s1, s0  }
0xbe: {  	s0 =	sadd.s32 $0x8F2B, s0  }
0xbf: {  	[sflag:s0] =	ssyncadd.remote.s32 $0x1  }
0xc0: {  	_ =	sfence.sel $0xFFFF  }
0xc1: {  	[dreg:$0x0] =	wrdreg $0xFFFFFFFF;
	(pc) =	sbr.abs _section_cstart, $3  }
0xc2: {  	[dreg:$0x1] =	wrdreg $0xFFFFFFFF  }
0xc3: {  	_ =	task.clear_ibuf [dreg:s8], $0x2FFFF;
	_ =	strace $0x9FFFFFFF  }
0xc4: {  	(tm) =	ssettm $0x7FFFFFFF  }
0xc5: {  	_ =	shalt  }
tec
execute0_lowered:
.L_overlay_start_1:
0x0: {  	(tag) =	ssettag $0x1  }
0x1: {  	s0 =	rddreg [dreg:$0x0]  }
0x2: {  	s1 =	rddreg [dreg:$0x2]  }
0x3: {  	s2 =	srdreg.scid;
	s5 =	simm.s32 $0x0;
	s3 =	stileid.u32  }
0x4: {  	s2 =	sand.u32 $0x1, s2;
	[smem:$0x7FF] =	sst s5;
	s3 =	sshll.u32 s3, $0x7  }
0x5: {  	s6 =	sadd.s32 $0x2800, s0;
	s25 =	sadd.s32 $0x3E2800, s0;
	s4 =	sshll.u32 s2, $0x6  }
0x6: {  	_ =	strace $0x80000047;
	[dreg:$0x4] =	wrdreg s6;
	s3 =	sor.u32 s4, s3  }
0x7: {  	[dreg:$0x5] =	wrdreg s25;
	s4 =	sadd.s32 s3, s0;
	s0 =	sadd.s32 $0x7C2800, s0  }
0x8: {  	s1 =	sadd.s32 s1, s3;
	[dreg:$0x6] =	wrdreg s0  }
0x9: {  	s28 =	sadd.s32 $0x1000, s4;
	[dreg:$0xb] =	wrdreg s1  }
0xa: {  	vm0 =	vmmov $0x1;
	vm1 =	vmmov $0x3;
	vm2 =	vmmov $0x7;
	s2 =	ssub.s32 $0x2, s2;
	s29 =	sadd.s32 $0x1800, s4;
	[dreg:$0x7] =	wrdreg s28  }
0xb: {  	vm3 =	vmmov $0xf;
	vm4 =	vmmov $0x1f;
	vm5 =	vmmov $0x3f;
	s26 =	sshrl.u32 s2, $0x1;
	s30 =	sadd.s32 $0x800, s4;
	[dreg:$0x8] =	wrdreg s29  }
0xc: {  	vm6 =	vmmov $0x7f;
	vm7 =	vmmov $0xff;
	vm8 =	vmmov $0x1ff;
	s0 =	ssub.s32 s2, s26;
	s31 =	sadd.s32 $0x2000, s4;
	[dreg:$0x9] =	wrdreg s30  }
0xd: {  	vm9 =	vmmov $0x3ff;
	vm10 =	vmmov $0x7ff;
	vm11 =	vmmov $0xfff;
	[dreg:$0xa] =	wrdreg s31;
	s0 =	smax.u32 s0, $0x1  }
0xe: {  	vm12 =	vmmov $0x1fff;
	vm13 =	vmmov $0x3fff;
	vm14 =	vmmov $0x7fff;
	s1 =	simm.s32 $0x2;
	s2 =	simm.s32 $0x0;
	[dreg:$0xc] =	wrdreg s0  }
.LBB2_1:
0xf: {  	[dreg:$0xd] =	wrdreg s2  }
0x10: {  	s0 =	rddreg [dreg:$0x7]  }
0x11: {  	[tilespmem:s5], [sflag:$0x2] =	stream.linear.gather [hbm4b:s0+s5], $0x200, $0x38;
	[tilespmem:$0x10B00] =	vst v63  }
0x12: {  	_ =	swait.ge [sflag:s1], $0x200  }
0x13: {  	[sflag:s1] =	ssyncset.done $0x0  }
0x14: {  	s22 =	simm.s32 $0x200;
	s21 =	rddreg [dreg:$0x8];
	[sflag:s1] =	ssyncadd.s32 $0xFFFFFE00  }
0x15: {  	[tilespmem:s22], [sflag:$0x2] =	stream.linear.gather [hbm4b:s21+s5], $0x200, $0x38;
	[tilespmem:$0x10B00] =	vst v63  }
0x16: {  	_ =	swait.ge [sflag:s1], $0x200  }
0x17: {  	[sflag:s1] =	ssyncset.done $0x0  }
0x18: {  	s24 =	simm.s32 $0x400;
	s23 =	rddreg [dreg:$0x9];
	[sflag:s1] =	ssyncadd.s32 $0xFFFFFE00  }
0x19: {  	[tilespmem:s24], [sflag:$0x2] =	stream.linear.gather [hbm4b:s23+s5], $0x200, $0x38;
	[tilespmem:$0x10B00] =	vst v63  }
0x1a: {  	_ =	swait.ge [sflag:s1], $0x200  }
0x1b: {  	[sflag:s1] =	ssyncset.done $0x0  }
0x1c: {  	s26 =	simm.s32 $0x600;
	s25 =	rddreg [dreg:$0xa];
	[sflag:s1] =	ssyncadd.s32 $0xFFFFFE00  }
0x1d: {  	[tilespmem:s26], [sflag:$0x2] =	stream.linear.gather [hbm4b:s25+s5], $0x200, $0x38;
	[tilespmem:$0x10B00] =	vst v63  }
0x1e: {  	_ =	swait.ge [sflag:s1], $0x200  }
0x1f: {  	[sflag:s1] =	ssyncset.done $0x0  }
0x20: {  	[sflag:s1] =	ssyncadd.s32 $0xFFFFFE00  }
0x21: {  	s29 =	simm.s32 $0x10800;
	s28 =	rddreg [dreg:$0x1]  }
0x22: {  	[tilespmem:s29], [sflag:$0x2] =	stream.linear.gather [hbm4b:s28+s5], $0x80, $0x38;
	[tilespmem:$0x10B00] =	vst v63  }
0x23: {  	_ =	swait.ge [sflag:s1], $0x80  }
0x24: {  	[sflag:s1] =	ssyncset.done $0x0  }
0x25: {  	s31 =	simm.s32 $0x10880;
	s30 =	rddreg [dreg:$0x6];
	[sflag:s1] =	ssyncadd.s32 $0xFFFFFF80  }
0x26: {  	[tilespmem:s31], [sflag:$0x2] =	stream.linear.gather [hbm4b:s30+s5], $0x80, $0x38;
	[tilespmem:$0x10B00] =	vst v63  }
0x27: {  	_ =	swait.ge [sflag:s1], $0x80  }
0x28: {  	[sflag:s1] =	ssyncset.done $0x0  }
0x29: {  	[sflag:s1] =	ssyncadd.s32 $0xFFFFFF80  }
0x2a: {  	v0 =	vld [tilespmem:$0x10800]  }
0x2b: {  	v1 =	vld [tilespmem:$0x10810]  }
0x2c: {  	p1 =	por $0x1, $0x1;
	s0 =	simm.s32 $0x0;
	v2 =	vld [tilespmem:$0x10880]  }
.LBB2_2:
0x2d: {  	s2 =	rddreg [dreg:$0x4];
	s4 =	simm.s32 $0x80;
	s1 =	simm.s32 $0x800  }
0x2e: {  	[tilespmem:s1], [sflag:$0x1] =	stream.indirect.gather [hbm4b:s2+s4], $0x80, s0, s4, $0xb8;
	[tilespmem:$0x10B00] =	vst v63  }
0x2f: {  	s24 =	sadd.s32 $0x200, s0;
	s3 =	rddreg [dreg:$0x5];
	s5 =	simm.s32 $0x8800  }
0x30: {  	[tilespmem:s5], [sflag:$0x1] =	stream.indirect.gather [hbm4b:s3+s4], $0x80, s24, s4, $0xb8;
	[tilespmem:$0x10B00] =	vst v63  }
0x31: {  	s25 =	sor.u32 $0x80, s0;
	s26 =	simm.s32 $0x4800  }
0x32: {  	[tilespmem:s26], [sflag:$0x1] =	stream.indirect.gather [hbm4b:s2+s4], $0x80, s25, s4, $0xb8;
	[tilespmem:$0x10B00] =	vst v63  }
0x33: {  	s28 =	sadd.s32 $0x280, s0;
	s29 =	simm.s32 $0xC800;
	s30 =	simm.s32 $0x1  }
0x34: {  	[tilespmem:s29], [sflag:$0x1] =	stream.indirect.gather [hbm4b:s3+s4], $0x80, s28, s4, $0xb8;
	[tilespmem:$0x10B00] =	vst v63  }
0x35: {  	_ =	swait.ge [sflag:s30], $0x4000  }
0x36: {  	[sflag:s30] =	ssyncset.done $0x0  }
0x37: {  	[sflag:s30] =	ssyncadd.s32 $0xFFFFC000  }
0x38: {  	_ =	swait.ge [sflag:s30], $0x4000  }
0x39: {  	[sflag:s30] =	ssyncset.done $0x0  }
0x3a: {  	[sflag:s30] =	ssyncadd.s32 $0xFFFFC000  }
0x3b: {  	_ =	swait.ge [sflag:s30], $0x4000  }
0x3c: {  	[sflag:s30] =	ssyncset.done $0x0  }
0x3d: {  	s31 =	sshll.u32 s0, $0x2;
	[sflag:s30] =	ssyncadd.s32 $0xFFFFC000  }
0x3e: {  	p0 =	por p1, p1;
	s0 =	sshra.s32 s31, $0x2;
	_ =	swait.ge [sflag:s30], $0x4000  }
0x3f: {  	s15 =	simm.s32 $0x0;
	s1 =	sadd.s32 $0x400, s0;
	[sflag:s30] =	ssyncset.done $0x0  }
0x40: {  	s2 =	sadd.s32 $0x600, s0;
	s0 =	sadd.s32 $0x10900, s0;
	[sflag:s30] =	ssyncadd.s32 $0xFFFFC000  }
.LBB2_3:
0x41: {  	v4 =	vld [tilespmem:s1+$0x0]  }
0x42: {  	v3 =	vld [tilespmem:s2+$0x0];
	_ =	sdelay $0x3  }
0x43: {  	(v2sf) =	vpush v4, $0x0  }
0x44: {  	(v2sf) =	vpush v3, $0x0;
	_ =	sdelay $0x2  }
0x45: {  	(v2sf) =	vpush v4, $0x1;
	_ =	sdelay $0x2  }
0x46: {  	(v2sf) =	vpush v3, $0x1;
	_ =	sdelay $0x5  }
0x47: {  	[dreg:$0x10] =	wrdreg s0  }
0x48: {  	[dreg:$0xf] =	wrdreg s2  }
0x49: {  	[dreg:$0xe] =	wrdreg s1;
	s9 =	spop (v2sf)  }
0x4a: {  	(v2sf) =	vpush v4, $0x2;
	s10 =	spop (v2sf);
	s11 =	sand.u32 $0x7F, s9;
	s3 =	sshll.u32 s9, $0x2  }
0x4b: {  	s4 =	sadd.s32 $0x10, s9;
	(v2sf) =	vpush v3, $0x2;
	s3 =	sand.u32 $0xFFFFFE00, s3;
	s2 =	sshll.u32 s11, $0x2  }
0x4c: {  	s12 =	sand.u32 $0x7F, s4;
	s13 =	sshll.u32 s4, $0x2;
	s14 =	sand.u32 $0x7F, s10  }
0x4d: {  	s5 =	sshll.u32 s10, $0x2;
	s1 =	sadd.s32 $0x10, s10;
	s18 =	spop (v2sf)  }
0x4e: {  	(v2sf) =	vpush v4, $0x3;
	s9 =	sor.u32 s2, s3;
	s3 =	sand.u32 $0xFFFFFE00, s13;
	s2 =	sshll.u32 s12, $0x2  }
0x4f: {  	s5 =	sand.u32 $0xFFFFFE00, s5;
	s4 =	sshll.u32 s14, $0x2;
	s16 =	sand.u32 $0x7F, s1  }
0x50: {  	s1 =	sshll.u32 s1, $0x2;
	s19 =	spop (v2sf);
	s20 =	sand.u32 $0x7F, s18  }
0x51: {  	s6 =	sshll.u32 s18, $0x2;
	(v2sf) =	vpush v3, $0x3;
	s17 =	sor.u32 s2, s3;
	s8 =	sor.u32 s4, s5  }
0x52: {  	s1 =	sand.u32 $0xFFFFFE00, s1;
	s2 =	sshll.u32 s16, $0x2;
	s3 =	sadd.s32 $0x10, s18  }
0x53: {  	s6 =	sand.u32 $0xFFFFFE00, s6;
	s5 =	sshll.u32 s20, $0x2;
	s21 =	sand.u32 $0x7F, s19  }
0x54: {  	s22 =	sshll.u32 s19, $0x2;
	s23 =	sadd.s32 $0x10, s19;
	s7 =	sand.u32 $0x7F, s3  }
0x55: {  	s3 =	sshll.u32 s3, $0x2;
	s31 =	sor.u32 s2, s1;
	s28 =	sor.u32 s5, s6  }
0x56: {  	s2 =	sand.u32 $0xFFFFFE00, s22;
	s3 =	sand.u32 $0xFFFFFE00, s3;
	s7 =	sshll.u32 s7, $0x2  }
0x57: {  	s4 =	sand.u32 $0x7F, s23;
	s25 =	sor.u32 s7, s3;
	s3 =	sshll.u32 s23, $0x2  }
0x58: {  	s1 =	sshll.u32 s21, $0x2;
	s4 =	sshll.u32 s4, $0x2;
	s3 =	sand.u32 $0xFFFFFE00, s3  }
0x59: {  	s29 =	sor.u32 s1, s2;
	s18 =	sor.u32 s4, s3;
	s24 =	spop (v2sf)  }
0x5a: {  	s26 =	spop (v2sf);
	s30 =	sand.u32 $0x7F, s24;
	s0 =	sshll.u32 s24, $0x2  }
0x5b: {  	s1 =	sadd.s32 $0x10, s24;
	s4 =	sand.u32 $0xFFFFFE00, s0;
	s3 =	sshll.u32 s30, $0x2  }
0x5c: {  	(v2sf) =	vpush v4, $0x4;
	s5 =	sand.u32 $0x7F, s1;
	s1 =	sshll.u32 s1, $0x2;
	s6 =	sand.u32 $0x7F, s26  }
0x5d: {  	s7 =	sshll.u32 s26, $0x2;
	s12 =	sadd.s32 $0x10, s26;
	s13 =	spop (v2sf)  }
0x5e: {  	(v2sf) =	vpush v3, $0x4;
	s30 =	sor.u32 s3, s4;
	s1 =	sand.u32 $0xFFFFFE00, s1;
	s3 =	sshll.u32 s5, $0x2  }
0x5f: {  	s5 =	sand.u32 $0xFFFFFE00, s7;
	s4 =	sshll.u32 s6, $0x2;
	s2 =	sand.u32 $0x7F, s12  }
0x60: {  	s14 =	spop (v2sf);
	s16 =	sand.u32 $0x7F, s13;
	s19 =	sshll.u32 s13, $0x2  }
0x61: {  	(v2sf) =	vpush v4, $0x5;
	s10 =	sor.u32 s3, s1;
	s11 =	sor.u32 s4, s5;
	s1 =	sshll.u32 s12, $0x2  }
0x62: {  	s2 =	sshll.u32 s2, $0x2;
	s3 =	sadd.s32 $0x10, s13;
	s6 =	sand.u32 $0xFFFFFE00, s19  }
0x63: {  	(v2sf) =	vpush v3, $0x5;
	s5 =	sshll.u32 s16, $0x2;
	s24 =	sand.u32 $0x7F, s14;
	[dreg:$0x12] =	wrdreg s10  }
0x64: {  	s26 =	sshll.u32 s14, $0x2;
	s0 =	sadd.s32 $0x10, s14;
	[dreg:$0x11] =	wrdreg s11  }
0x65: {  	s1 =	sand.u32 $0xFFFFFE00, s1;
	s20 =	sand.u32 $0x7F, s3;
	s3 =	sshll.u32 s3, $0x2  }
0x66: {  	s22 =	sor.u32 s5, s6;
	s4 =	sand.u32 $0x7F, s0;
	s3 =	sand.u32 $0xFFFFFE00, s3  }
0x67: {  	s7 =	sshll.u32 s20, $0x2;
	s21 =	sor.u32 s2, s1;
	[dreg:$0x15] =	wrdreg s22  }
0x68: {  	s2 =	sand.u32 $0xFFFFFE00, s26;
	s1 =	sshll.u32 s24, $0x2;
	s4 =	sshll.u32 s4, $0x2  }
0x69: {  	[dreg:$0x14] =	wrdreg s21;
	s23 =	sor.u32 s7, s3;
	s3 =	sshll.u32 s0, $0x2  }
0x6a: {  	s2 =	sor.u32 s1, s2;
	[dreg:$0x13] =	wrdreg s23;
	s3 =	sand.u32 $0xFFFFFE00, s3  }
0x6b: {  	[dreg:$0x16] =	wrdreg s2;
	s5 =	sor.u32 s4, s3;
	s6 =	spop (v2sf)  }
0x6c: {  	[dreg:$0x17] =	wrdreg s5;
	s7 =	sand.u32 $0x7F, s6  }
0x6d: {  	s10 =	sshll.u32 s6, $0x2;
	s1 =	sadd.s32 $0x10, s6;
	s12 =	spop (v2sf)  }
0x6e: {  	s3 =	sand.u32 $0xFFFFFE00, s10;
	s11 =	sand.u32 $0x7F, s1;
	s1 =	sshll.u32 s1, $0x2  }
0x6f: {  	(v2sf) =	vpush v4, $0x6;
	s2 =	sshll.u32 s7, $0x2;
	s16 =	sand.u32 $0x7F, s12;
	s19 =	sshll.u32 s12, $0x2  }
0x70: {  	s20 =	sadd.s32 $0x10, s12;
	s24 =	spop (v2sf);
	s1 =	sand.u32 $0xFFFFFE00, s1  }
0x71: {  	(v2sf) =	vpush v3, $0x6;
	s4 =	sshll.u32 s11, $0x2;
	s13 =	sor.u32 s2, s3;
	s2 =	sand.u32 $0xFFFFFE00, s19  }
0x72: {  	s21 =	sand.u32 $0x7F, s20;
	s3 =	sshll.u32 s20, $0x2;
	s26 =	spop (v2sf)  }
0x73: {  	s0 =	sand.u32 $0x7F, s24;
	s5 =	sshll.u32 s24, $0x2;
	[dreg:$0x19] =	wrdreg s13  }
0x74: {  	(v2sf) =	vpush v4, $0x7;
	s14 =	sor.u32 s4, s1;
	s1 =	sshll.u32 s16, $0x2;
	s3 =	sand.u32 $0xFFFFFE00, s3  }
0x75: {  	s4 =	sshll.u32 s21, $0x2;
	s10 =	sand.u32 $0x7F, s26;
	s11 =	sshll.u32 s26, $0x2  }
0x76: {  	[dreg:$0x18] =	wrdreg s14;
	s22 =	sor.u32 s1, s2;
	s23 =	sor.u32 s4, s3  }
0x77: {  	(v2sf) =	vpush v3, $0x7;
	s4 =	sand.u32 $0xFFFFFE00, s5;
	s3 =	sshll.u32 s0, $0x2;
	s1 =	sadd.s32 $0x10, s24  }
0x78: {  	s5 =	sand.u32 $0xFFFFFE00, s11;
	s14 =	sadd.s32 $0x10, s26;
	[dreg:$0x1b] =	wrdreg s22  }
0x79: {  	[dreg:$0x1a] =	wrdreg s23;
	s6 =	sor.u32 s3, s4;
	s7 =	sand.u32 $0x7F, s1  }
0x7a: {  	s1 =	sshll.u32 s1, $0x2;
	s4 =	sshll.u32 s10, $0x2;
	s2 =	sand.u32 $0x7F, s14  }
0x7b: {  	[dreg:$0x1c] =	wrdreg s6;
	s1 =	sand.u32 $0xFFFFFE00, s1;
	s3 =	sshll.u32 s7, $0x2  }
0x7c: {  	s13 =	sor.u32 s4, s5;
	s12 =	sor.u32 s3, s1;
	s1 =	sshll.u32 s14, $0x2  }
0x7d: {  	s2 =	sshll.u32 s2, $0x2;
	[dreg:$0x1d] =	wrdreg s13;
	s1 =	sand.u32 $0xFFFFFE00, s1  }
0x7e: {  	[dreg:$0x1e] =	wrdreg s12;
	s21 =	sor.u32 s2, s1;
	s16 =	spop (v2sf)  }
0x7f: {  	s9 =	sshra.s32 s9, $0x2;
	[dreg:$0x1f] =	wrdreg s21;
	s19 =	sand.u32 $0x7F, s16  }
0x80: {  	s20 =	sshll.u32 s16, $0x2;
	s23 =	sadd.s32 $0x10, s16;
	s26 =	spop (v2sf)  }
0x81: {  	s5 =	sand.u32 $0xFFFFFE00, s20;
	s4 =	sshll.u32 s19, $0x2;
	s24 =	sand.u32 $0x7F, s23  }
0x82: {  	(v2sf) =	vpush v4, $0x8;
	s1 =	sshll.u32 s23, $0x2;
	s6 =	sand.u32 $0x7F, s26;
	s7 =	sshll.u32 s26, $0x2  }
0x83: {  	s12 =	sadd.s32 $0x10, s26;
	s14 =	spop (v2sf);
	s22 =	sor.u32 s4, s5  }
0x84: {  	(v2sf) =	vpush v3, $0x8;
	s1 =	sand.u32 $0xFFFFFE00, s1;
	s2 =	sshll.u32 s24, $0x2;
	s5 =	sand.u32 $0xFFFFFE00, s7  }
0x85: {  	s4 =	sshll.u32 s6, $0x2;
	s13 =	sand.u32 $0x7F, s12;
	s16 =	sand.u32 $0x7F, s14  }
0x86: {  	s19 =	sshll.u32 s14, $0x2;
	s24 =	spop (v2sf);
	[smem:$0x7F2] =	sst s22  }
0x87: {  	s10 =	sor.u32 s2, s1;
	s11 =	sor.u32 s4, s5;
	s1 =	sshll.u32 s12, $0x2  }
0x88: {  	s2 =	sshll.u32 s13, $0x2;
	s5 =	sand.u32 $0xFFFFFE00, s19;
	s4 =	sshll.u32 s16, $0x2  }
0x89: {  	s22 =	sadd.s32 $0x10, s14;
	s26 =	sand.u32 $0x7F, s24;
	[smem:$0x7F3] =	sst s10  }
0x8a: {  	s0 =	sshll.u32 s24, $0x2;
	[smem:$0x7F4] =	sst s11;
	s1 =	sand.u32 $0xFFFFFE00, s1  }
0x8b: {  	(v2sf) =	vpush v4, $0x9;
	s21 =	sor.u32 s4, s5;
	s23 =	sand.u32 $0x7F, s22;
	s5 =	sand.u32 $0xFFFFFE00, s0  }
0x8c: {  	s4 =	sshll.u32 s26, $0x2;
	s10 =	sadd.s32 $0x10, s24;
	s20 =	sor.u32 s2, s1  }
0x8d: {  	(v2sf) =	vpush v3, $0x9;
	[smem:$0x7F6] =	sst s21;
	s1 =	sshll.u32 s22, $0x2;
	s2 =	sshll.u32 s23, $0x2  }
0x8e: {  	s7 =	sor.u32 s4, s5;
	s11 =	sand.u32 $0x7F, s10;
	s1 =	sand.u32 $0xFFFFFE00, s1  }
0x8f: {  	[smem:$0x7F5] =	sst s20;
	s6 =	sor.u32 s2, s1;
	s1 =	sshll.u32 s10, $0x2  }
0x90: {  	[smem:$0x7F8] =	sst s7;
	s2 =	sshll.u32 s11, $0x2;
	s1 =	sand.u32 $0xFFFFFE00, s1  }
0x91: {  	[smem:$0x7F7] =	sst s6;
	s16 =	sor.u32 s2, s1;
	s12 =	spop (v2sf)  }
0x92: {  	s30 =	sshra.s32 s30, $0x2;
	[smem:$0x7F9] =	sst s16;
	s13 =	sand.u32 $0x7F, s12  }
0x93: {  	(v2sf) =	vpush v4, $0xA;
	s14 =	sshll.u32 s12, $0x2;
	s20 =	sadd.s32 $0x10, s12;
	s22 =	spop (v2sf)  }
0x94: {  	s5 =	sand.u32 $0xFFFFFE00, s14;
	s10 =	sshll.u32 s13, $0x2;
	s21 =	sand.u32 $0x7F, s20  }
0x95: {  	(v2sf) =	vpush v3, $0xA;
	s1 =	sshll.u32 s20, $0x2;
	s23 =	sand.u32 $0x7F, s22;
	s11 =	sshll.u32 s22, $0x2  }
0x96: {  	s0 =	sadd.s32 $0x10, s22;
	s19 =	sor.u32 s10, s5;
	s1 =	sand.u32 $0xFFFFFE00, s1  }
0x97: {  	s2 =	sshll.u32 s21, $0x2;
	s11 =	sand.u32 $0xFFFFFE00, s11;
	s3 =	sshll.u32 s23, $0x2  }
0x98: {  	s10 =	sand.u32 $0x7F, s0;
	[smem:$0x7FA] =	sst s19;
	s24 =	sor.u32 s2, s1  }
0x99: {  	s26 =	sor.u32 s3, s11;
	s1 =	sshll.u32 s0, $0x2;
	[smem:$0x7FB] =	sst s24  }
0x9a: {  	s2 =	spop (v2sf);
	s10 =	sshll.u32 s10, $0x2;
	[smem:$0x7FC] =	sst s26  }
0x9b: {  	(v2sf) =	vpush v4, $0xB;
	s1 =	sand.u32 $0xFFFFFE00, s1;
	s12 =	sand.u32 $0x7F, s2;
	s13 =	sshll.u32 s2, $0x2  }
0x9c: {  	s3 =	sadd.s32 $0x10, s2;
	s5 =	spop (v2sf);
	s13 =	sand.u32 $0xFFFFFE00, s13  }
0x9d: {  	(v2sf) =	vpush v3, $0xB;
	s12 =	sshll.u32 s12, $0x2;
	s7 =	sor.u32 s10, s1;
	s4 =	sand.u32 $0x7F, s3  }
0x9e: {  	s1 =	sshll.u32 s3, $0x2;
	s14 =	sand.u32 $0x7F, s5;
	s16 =	sshll.u32 s5, $0x2  }
0x9f: {  	s19 =	sadd.s32 $0x10, s5;
	s6 =	sor.u32 s12, s13;
	s1 =	sand.u32 $0xFFFFFE00, s1  }
0xa0: {  	s10 =	sshll.u32 s4, $0x2;
	s13 =	sand.u32 $0xFFFFFE00, s16;
	s12 =	sshll.u32 s14, $0x2  }
0xa1: {  	s20 =	sand.u32 $0x7F, s19;
	s3 =	sor.u32 s10, s1;
	s1 =	sshll.u32 s19, $0x2  }
0xa2: {  	s10 =	sshll.u32 s20, $0x2;
	s1 =	sand.u32 $0xFFFFFE00, s1;
	s21 =	spop (v2sf)  }
0xa3: {  	s4 =	sor.u32 s12, s13;
	s22 =	sor.u32 s10, s1;
	s23 =	sand.u32 $0x7F, s21  }
0xa4: {  	(v2sf) =	vpush v4, $0xC;
	s24 =	sshll.u32 s21, $0x2;
	s26 =	sadd.s32 $0x10, s21;
	s2 =	spop (v2sf)  }
0xa5: {  	s13 =	sand.u32 $0xFFFFFE00, s24;
	s12 =	sshll.u32 s23, $0x2;
	s0 =	sand.u32 $0x7F, s26  }
0xa6: {  	(v2sf) =	vpush v3, $0xC;
	s1 =	sshll.u32 s26, $0x2;
	s5 =	sand.u32 $0x7F, s2;
	s14 =	sshll.u32 s2, $0x2  }
0xa7: {  	s16 =	sadd.s32 $0x10, s2;
	s20 =	sor.u32 s12, s13;
	s1 =	sand.u32 $0xFFFFFE00, s1  }
0xa8: {  	s10 =	sshll.u32 s0, $0x2;
	s13 =	sand.u32 $0xFFFFFE00, s14;
	s12 =	sshll.u32 s5, $0x2  }
0xa9: {  	s11 =	sand.u32 $0x7F, s16;
	s10 =	sor.u32 s10, s1;
	s23 =	sor.u32 s12, s13  }
0xaa: {  	s1 =	sshll.u32 s16, $0x2;
	s19 =	spop (v2sf);
	s11 =	sshll.u32 s11, $0x2  }
0xab: {  	s1 =	sand.u32 $0xFFFFFE00, s1;
	s21 =	sand.u32 $0x7F, s19;
	s14 =	sshll.u32 s19, $0x2  }
0xac: {  	s24 =	sadd.s32 $0x10, s19;
	s26 =	spop (v2sf);
	s14 =	sand.u32 $0xFFFFFE00, s14  }
0xad: {  	s13 =	sshll.u32 s21, $0x2;
	s11 =	sor.u32 s11, s1;
	s12 =	sand.u32 $0x7F, s24  }
0xae: {  	s1 =	sshll.u32 s24, $0x2;
	s2 =	sand.u32 $0x7F, s26;
	s16 =	sshll.u32 s26, $0x2  }
0xaf: {  	s24 =	sadd.s32 $0x10, s26;
	s5 =	sor.u32 s13, s14;
	s1 =	sand.u32 $0xFFFFFE00, s1  }
0xb0: {  	(v2sf) =	vpush v4, $0xD;
	s12 =	sshll.u32 s12, $0x2;
	s19 =	sand.u32 $0xFFFFFE00, s16;
	s14 =	sshll.u32 s2, $0x2  }
0xb1: {  	s13 =	sand.u32 $0x7F, s24;
	s16 =	sor.u32 s12, s1;
	s12 =	sshll.u32 s24, $0x2  }
0xb2: {  	s21 =	sor.u32 s14, s19;
	s13 =	sshll.u32 s13, $0x2;
	s12 =	sand.u32 $0xFFFFFE00, s12  }
0xb3: {  	[smem:$0x7FD] =	sst s21;
	s12 =	sor.u32 s13, s12;
	s26 =	spop (v2sf)  }
0xb4: {  	s0 =	sand.u32 $0x7F, s26;
	s21 =	sshll.u32 s26, $0x2;
	s1 =	sadd.s32 $0x10, s26  }
0xb5: {  	s2 =	spop (v2sf);
	s21 =	sand.u32 $0xFFFFFE00, s21;
	s14 =	sshll.u32 s0, $0x2  }
0xb6: {  	s19 =	sand.u32 $0x7F, s1;
	s13 =	sshll.u32 s1, $0x2;
	s24 =	sand.u32 $0x7F, s2  }
0xb7: {  	s26 =	sshll.u32 s2, $0x2;
	s2 =	sadd.s32 $0x10, s2;
	s14 =	sor.u32 s14, s21  }
0xb8: {  	s13 =	sand.u32 $0xFFFFFE00, s13;
	s19 =	sshll.u32 s19, $0x2;
	s1 =	sand.u32 $0xFFFFFE00, s26  }
0xb9: {  	s24 =	sshll.u32 s24, $0x2;
	s21 =	sand.u32 $0x7F, s2;
	s0 =	sshll.u32 s2, $0x2  }
0xba: {  	s2 =	sshra.s32 s17, $0x2;
	s17 =	sshra.s32 s8, $0x2;
	s8 =	sshra.s32 s28, $0x2  }
0xbb: {  	s28 =	sshra.s32 s25, $0x2;
	s26 =	sor.u32 s19, s13;
	s13 =	sor.u32 s24, s1  }
0xbc: {  	s1 =	sand.u32 $0xFFFFFE00, s0;
	s21 =	sshll.u32 s21, $0x2;
	s0 =	sshra.s32 s15, $0x2  }
0xbd: {  	s21 =	sor.u32 s21, s1;
	s19 =	sadd.s32 s0, s9;
	s9 =	sadd.s32 s0, s2  }
0xbe: {  	s1 =	sshra.s32 s31, $0x2;
	s2 =	sadd.s32 s0, s17;
	s17 =	sadd.s32 s0, s8;
	v6 =	vld [tilespmem:s19+$0x800]  }
0xbf: {  	s24 =	spop (v2sf);
	s8 =	sadd.s32 s0, s28;
	s28 =	sshra.s32 s18, $0x2;
	v5 =	vld [tilespmem:s9+$0x800]  }
0xc0: {  	s18 =	rddreg [dreg:$0x11];
	s9 =	sadd.s32 s0, s1;
	v8 =	vld [tilespmem:s2+$0x8800];
	s31 =	sand.u32 $0x7F, s24  }
0xc1: {  	v10 =	vld [tilespmem:s17+$0x880];
	s17 =	sshra.s32 s29, $0x2;
	s29 =	sadd.s32 s0, s28;
	s28 =	rddreg [dreg:$0x14]  }
0xc2: {  	s2 =	sshll.u32 s24, $0x2;
	v7 =	vld [tilespmem:s9+$0x8800];
	s9 =	sshll.u32 s31, $0x2;
	s31 =	rddreg [dreg:$0x12]  }
0xc3: {  	s1 =	sand.u32 $0xFFFFFE00, s2;
	s25 =	sadd.s32 s0, s17;
	v11 =	vld [tilespmem:s29+$0x8880];
	s29 =	rddreg [dreg:$0x15]  }
0xc4: {  	v9 =	vld [tilespmem:s8+$0x880];
	s19 =	sor.u32 s9, s1;
	s8 =	sshra.s32 s31, $0x2;
	s9 =	sadd.s32 s0, s30  }
0xc5: {  	v12 =	vld [tilespmem:s25+$0x8880];
	s17 =	sadd.s32 s0, s8;
	s8 =	sshra.s32 s18, $0x2;
	s18 =	rddreg [dreg:$0x16]  }
0xc6: {  	v14 =	vld [tilespmem:s9+$0x900];
	s9 =	sshra.s32 s29, $0x2;
	s29 =	rddreg [dreg:$0x19]  }
0xc7: {  	s25 =	sadd.s32 s0, s8;
	v13 =	vld [tilespmem:s17+$0x900];
	s17 =	rddreg [dreg:$0x13]  }
0xc8: {  	s8 =	sshra.s32 s28, $0x2;
	s31 =	sadd.s32 s0, s9;
	v16 =	vld [tilespmem:s25+$0x8900];
	s25 =	rddreg [dreg:$0x17]  }
0xc9: {  	s30 =	sadd.s32 s0, s8;
	s9 =	sshra.s32 s17, $0x2;
	v18 =	vld [tilespmem:s31+$0x980];
	s31 =	rddreg [dreg:$0x18]  }
0xca: {  	s1 =	sadd.s32 s0, s9;
	s9 =	sshra.s32 s18, $0x2;
	s28 =	sshra.s32 s25, $0x2  }
0xcb: {  	v15 =	vld [tilespmem:s30+$0x8900];
	s30 =	sshra.s32 s29, $0x2;
	s18 =	sshra.s32 s31, $0x2;
	s25 =	rddreg [dreg:$0x1b]  }
0xcc: {  	s31 =	rddreg [dreg:$0x1a];
	s2 =	sadd.s32 s0, s9;
	s9 =	sadd.s32 s0, s28  }
0xcd: {  	s8 =	sadd.s32 s0, s30;
	s28 =	sshra.s32 s25, $0x2;
	s25 =	rddreg [dreg:$0x1c]  }
0xce: {  	v17 =	vld [tilespmem:s1+$0x980];
	s1 =	sadd.s32 s0, s18;
	s18 =	sshra.s32 s31, $0x2;
	s31 =	rddreg [dreg:$0x1e]  }
0xcf: {  	s29 =	sadd.s32 s0, s28;
	s28 =	sshra.s32 s25, $0x2;
	s25 =	rddreg [dreg:$0x1d]  }
0xd0: {  	v19 =	vld [tilespmem:s2+$0x8980];
	s2 =	sadd.s32 s0, s18;
	s18 =	sshra.s32 s31, $0x2;
	s31 =	rddreg [dreg:$0x1f]  }
0xd1: {  	v20 =	vld [tilespmem:s9+$0x8980];
	s9 =	sadd.s32 s0, s28;
	s28 =	sshra.s32 s25, $0x2;
	s25 =	sld [smem:$0x7F2]  }
0xd2: {  	s30 =	sadd.s32 s0, s18;
	s18 =	sshra.s32 s31, $0x2;
	s31 =	sld [smem:$0x7F3]  }
0xd3: {  	v22 =	vld [tilespmem:s1+$0xA00];
	s1 =	sadd.s32 s0, s18;
	s18 =	sld [smem:$0x7F4];
	_ =	sdelay $0x1  }
0xd4: {  	v21 =	vld [tilespmem:s8+$0xA00];
	s8 =	sadd.s32 s0, s28;
	s28 =	sshra.s32 s25, $0x2;
	s17 =	sshra.s32 s31, $0x2  }
0xd5: {  	(v2sf) =	vpush v3, $0xD;
	s25 =	sadd.s32 s0, s28;
	s31 =	sshra.s32 s18, $0x2;
	s28 =	sld [smem:$0x7F5]  }
0xd6: {  	(v2sf) =	vpush v4, $0xE;
	v24 =	vld [tilespmem:s2+$0x8A00];
	s2 =	sadd.s32 s0, s31;
	s31 =	sld [smem:$0x7F6]  }
0xd7: {  	(v2sf) =	vpush v3, $0xE  }
0xd8: {  	s18 =	sshra.s32 s28, $0x2  }
0xd9: {  	s28 =	sadd.s32 s0, s18;
	s18 =	sshra.s32 s31, $0x2;
	s31 =	sld [smem:$0x7F7]  }
0xda: {  	s7 =	sshra.s32 s7, $0x2;
	s6 =	sshra.s32 s6, $0x2;
	s3 =	sshra.s32 s3, $0x2  }
0xdb: {  	s11 =	sshra.s32 s11, $0x2;
	s5 =	sshra.s32 s5, $0x2;
	s12 =	sshra.s32 s12, $0x2  }
0xdc: {  	v25 =	vld [tilespmem:s9+$0xA80];
	s9 =	sadd.s32 s0, s18;
	s18 =	sld [smem:$0x7F8];
	s31 =	sshra.s32 s31, $0x2  }
0xdd: {  	s14 =	sshra.s32 s14, $0x2;
	v26 =	vld [tilespmem:s30+$0xA80];
	s30 =	sadd.s32 s0, s31;
	s31 =	sld [smem:$0x7F9]  }
0xde: {  	s7 =	sadd.s32 s0, s7;
	s6 =	sadd.s32 s0, s6;
	s5 =	sadd.s32 s0, s5  }
0xdf: {  	s13 =	sshra.s32 s13, $0x2;
	v23 =	vld [tilespmem:s29+$0x8A00];
	s29 =	sadd.s32 s0, s17;
	s17 =	sshra.s32 s18, $0x2  }
0xe0: {  	v27 =	vld [tilespmem:s8+$0x8A80];
	s18 =	sadd.s32 s0, s17;
	s17 =	sshra.s32 s31, $0x2;
	s31 =	sld [smem:$0x7FA]  }
0xe1: {  	s12 =	sadd.s32 s0, s12;
	s14 =	sadd.s32 s0, s14;
	s13 =	sadd.s32 s0, s13;
	v28 =	vld [tilespmem:s1+$0x8A80]  }
0xe2: {  	v61 =	vld [tilespmem:s29+$0xB00];
	s29 =	sshra.s32 s4, $0x2;
	s4 =	sshra.s32 s20, $0x2;
	s20 =	sshra.s32 s10, $0x2  }
0xe3: {  	v29 =	vld [tilespmem:s25+$0xB00];
	s8 =	sadd.s32 s0, s17;
	s17 =	sld [smem:$0x7FB];
	s31 =	sshra.s32 s31, $0x2  }
0xe4: {  	s10 =	spop (v2sf);
	v30 =	vld [tilespmem:s2+$0x8B00];
	s1 =	sadd.s32 s0, s31;
	s31 =	sld [smem:$0x7FC]  }
0xe5: {  	s2 =	sadd.s32 s0, s3;
	v32 =	vld [tilespmem:s9+$0xB80];
	s9 =	sadd.s32 s0, s4;
	s4 =	spop (v2sf)  }
0xe6: {  	s20 =	sadd.s32 s0, s20;
	s3 =	spop (v2sf);
	v33 =	vld [tilespmem:s30+$0xB80];
	s30 =	sadd.s32 $0x10, s24  }
0xe7: {  	v31 =	vld [tilespmem:s28+$0x8B00];
	s24 =	sshll.u32 s30, $0x2;
	s17 =	sshra.s32 s17, $0x2;
	s31 =	sshra.s32 s31, $0x2  }
0xe8: {  	(v2sf) =	vpush v4, $0xF;
	s17 =	sadd.s32 s0, s17;
	v36 =	vld [tilespmem:s1+$0xC00];
	s1 =	sadd.s32 s0, s11;
	s25 =	sadd.s32 s0, s31  }
0xe9: {  	v34 =	vld [tilespmem:s18+$0x8B80];
	s31 =	sshra.s32 s22, $0x2;
	s22 =	sadd.s32 s0, s29;
	s29 =	sshra.s32 s23, $0x2  }
0xea: {  	v35 =	vld [tilespmem:s8+$0x8B80];
	s28 =	sadd.s32 s0, s31;
	s18 =	sadd.s32 s0, s29;
	s31 =	sand.u32 $0x7F, s30  }
0xeb: {  	s29 =	sand.u32 $0xFFFFFE00, s24;
	s30 =	sand.u32 $0x7F, s10;
	v38 =	vld [tilespmem:s25+$0x8C00];
	s25 =	sand.u32 $0x7F, s4  }
0xec: {  	v42 =	vld [tilespmem:s22+$0x8C80];
	s22 =	sshra.s32 s21, $0x2;
	s8 =	sshll.u32 s31, $0x2;
	s31 =	sshll.u32 s10, $0x2  }
0xed: {  	v41 =	vld [tilespmem:s2+$0xC80];
	s11 =	sshll.u32 s30, $0x2;
	s10 =	sadd.s32 $0x10, s10;
	s2 =	sshll.u32 s25, $0x2  }
0xee: {  	v6 =	vmul.f32 v8, v6;
	s30 =	sshra.s32 s16, $0x2;
	v8 =	vld [tilespmem:s18+$0x8D00];
	s18 =	sshra.s32 s26, $0x2;
	s8 =	sor.u32 s8, s29  }
0xef: {  	v37 =	vld [tilespmem:s17+$0xC00];
	s17 =	sand.u32 $0xFFFFFE00, s31;
	s29 =	sshll.u32 s4, $0x2;
	s31 =	sadd.s32 s0, s30  }
0xf0: {  	v44 =	vld [tilespmem:s20+$0xD00];
	s20 =	sadd.s32 s0, s18;
	s4 =	sadd.s32 $0x10, s4;
	s30 =	sshll.u32 s3, $0x2  }
0xf1: {  	v39 =	vld [tilespmem:s7+$0x8C00];
	s7 =	sor.u32 s11, s17;
	s17 =	sand.u32 $0x7F, s10;
	s10 =	sshll.u32 s10, $0x2  }
0xf2: {  	v52 =	vld [tilespmem:s12+$0x8D80];
	v5 =	vmul.f32 v7, v5;
	v9 =	vmul.f32 v11, v9;
	s8 =	sshra.s32 s8, $0x2;
	s26 =	sshll.u32 s4, $0x2;
	s4 =	sand.u32 $0x7F, s4  }
0xf3: {  	v53 =	vld [tilespmem:s14+$0xE00];
	v62 =	vmul.f32 v12, v10;
	v6 =	vmul.f32 v6, v0;
	(v2sf) =	vpush v3, $0xF;
	s12 =	sand.u32 $0xFFFFFE00, s30;
	s23 =	sand.u32 $0xFFFFFE00, s10;
	s24 =	sshll.u32 s17, $0x2  }
0xf4: {  	v56 =	vld [tilespmem:s13+$0x8E00];
	v5 =	vmul.f32 v5, v1;
	v63 =	vmul.f32 v16, v14;
	s10 =	sand.u32 $0xFFFFFE00, s29;
	s17 =	sld [smem:$0x7FD];
	s8 =	sadd.s32 s0, s8  }
0xf5: {  	v9 =	vmul.f32 v9, v1;
	v7 =	vmul.f32 v62, v0;
	v43 =	vld [tilespmem:s28+$0x8C80];
	s7 =	sshra.s32 s7, $0x2;
	s28 =	sshll.u32 s4, $0x2;
	s29 =	sand.u32 $0x7F, s3  }
0xf6: {  	v40 =	vld [tilespmem:s6+$0xC80];
	v13 =	vmul.f32 v15, v13;
	v11 =	vmul.f32 v63, v0;
	s3 =	sadd.s32 $0x10, s3;
	s6 =	sor.u32 s24, s23;
	s10 =	sor.u32 s2, s10  }
0xf7: {  	v14 =	vmul.f32 v19, v18;
	v45 =	vmul.f32 v20, v17;
	s2 =	spop (v2sf);
	s23 =	sadd.s32 s0, s22;
	s24 =	sshra.s32 s19, $0x2  }
0xf8: {  	v13 =	vmul.f32 v13, v1;
	v46 =	vmul.f32 v23, v21;
	v15 =	vld [tilespmem:s31+$0xD80];
	s7 =	sadd.s32 s0, s7;
	s4 =	sshll.u32 s29, $0x2;
	s31 =	sand.u32 $0x7F, s3  }
0xf9: {  	v48 =	vmul.f32 v24, v22;
	v14 =	vmul.f32 v14, v0;
	s3 =	sshll.u32 s3, $0x2;
	s25 =	sadd.s32 s0, s24;
	s6 =	sshra.s32 s6, $0x2  }
0xfa: {  	v12 =	vld [tilespmem:s5+$0xD80];
	v49 =	vmul.f32 v27, v25;
	v25 =	vmul.f32 v56, v53;
	s10 =	sshra.s32 s10, $0x2;
	s4 =	sor.u32 s4, s12;
	s3 =	sand.u32 $0xFFFFFE00, s3  }
0xfb: {  	v16 =	vmul.f32 v45, v1;
	v50 =	vmul.f32 v28, v26;
	v10 =	vld [tilespmem:s1+$0x8D00];
	s5 =	sshll.u32 s31, $0x2;
	s12 =	sand.u32 $0x7F, s2;
	s13 =	sshll.u32 s2, $0x2  }
0xfc: {  	v5 =	vadd.f32 v5, v6;
	v28 =	vmul.f32 v25, v0;
	v3 =	vld [tilespmem:s9+$0xD00];
	v4 =	vmul.f32 v31, v61;
	s2 =	sadd.s32 $0x10, s2;
	s11 =	sshra.s32 s17, $0x2;
	s6 =	sadd.s32 s0, s6  }
0xfd: {  	v24 =	vmul.f32 v34, v32;
	v54 =	vmul.f32 v35, v33;
	v55 =	vld [tilespmem:s20+$0xE00];
	s10 =	sadd.s32 s0, s10;
	s4 =	sshra.s32 s4, $0x2;
	s3 =	sor.u32 s5, s3  }
0xfe: {  	(xrf2) =	vadd.scan.msk.f32 $0xffff, v5;
	v51 =	vmul.f32 v30, v29;
	v4 =	vmul.f32 v4, v1;
	v63 =	vld [tilespmem:s7+$0x8E80];
	s14 =	sand.u32 $0xFFFFFE00, s13;
	s7 =	sshll.u32 s12, $0x2;
	s22 =	sand.u32 $0x7F, s2  }
0xff: {  	v53 =	vmul.f32 v24, v0;
	v54 =	vmul.f32 v54, v1;
	v62 =	vld [tilespmem:s8+$0xE80];
	s2 =	sshll.u32 s2, $0x2;
	s11 =	sadd.s32 s0, s11;
	s4 =	sadd.s32 s0, s4  }
0x100: {  	v57 =	vmul.f32 v39, v37;
	v10 =	vmul.f32 v10, v44;
	s18 =	sor.u32 s7, s14;
	s3 =	sshra.s32 s3, $0x2;
	s2 =	sand.u32 $0xFFFFFE00, s2;
	v47 =	vld [tilespmem:s11+$0x8D80]  }
0x101: {  	v39 =	vmul.f32 v46, v0;
	v27 =	vmul.f32 v38, v36;
	s11 =	sand.u32 $0xFFFFFE00, s26;
	v38 =	vld [tilespmem:s4+$0x8F00];
	s4 =	sshra.s32 s18, $0x2;
	s20 =	sadd.s32 s0, s3  }
0x102: {  	v57 =	vmul.f32 v57, v1;
	v21 =	vmul.f32 v10, v1;
	v59 =	vld [tilespmem:s23+$0x8E00];
	s1 =	sor.u32 s28, s11;
	s11 =	spop (v2sf);
	s21 =	sadd.s32 s0, s4  }
0x103: {  	v7 =	vadd.f32 v9, v7;
	v58 =	vmul.f32 v42, v40;
	v42 =	vmul.f32 v48, v1;
	v61 =	vld [tilespmem:s25+$0xE80];
	s16 =	sand.u32 $0x7F, s11;
	s17 =	sshll.u32 s11, $0x2;
	s1 =	sshra.s32 s1, $0x2  }
0x104: {  	v44 =	vadd.f32 v13, v11;
	v48 =	vmul.f32 v50, v1;
	v60 =	vmul.f32 v43, v41;
	v36 =	vld [tilespmem:s6+$0x8E80];
	s25 =	sadd.s32 $0x10, s11;
	s9 =	sand.u32 $0xFFFFFE00, s17;
	s8 =	sshll.u32 s16, $0x2  }
0x105: {  	(xrf2) =	vadd.scan.msk.f32 $0xffff, v7;
	v3 =	vmul.f32 v8, v3;
	v43 =	vmul.f32 v49, v0;
	v37 =	vld [tilespmem:s10+$0xF00];
	s1 =	sadd.s32 s0, s1;
	s26 =	sand.u32 $0x7F, s25;
	s4 =	sshll.u32 s25, $0x2  }
0x106: {  	(xrf2) =	vadd.scan.msk.f32 $0xffff, v44;
	v50 =	vadd.f32 v16, v14;
	v49 =	vmul.f32 v51, v0;
	v56 =	vmul.f32 v27, v0;
	s19 =	sor.u32 s8, s9;
	v41 =	vld [tilespmem:s1+$0xF00];
	s1 =	sshll.u32 s22, $0x2;
	s28 =	sand.u32 $0xFFFFFE00, s4  }
0x107: {  	v6 =	vadd.f32 v42, v39;
	v58 =	vmul.f32 v58, v0;
	v15 =	vmul.f32 v52, v15;
	v46 =	vld [tilespmem:s20+$0x8F00];
	s3 =	sshll.u32 s26, $0x2;
	s23 =	sshra.s32 s19, $0x2;
	s1 =	sor.u32 s1, s2  }
0x108: {  	v31, _, _ =	vpop (xrf2);
	(xrf2) =	vadd.scan.msk.f32 $0xffff, v50;
	v40 =	vmul.f32 v59, v55;
	v55 =	vadd.f32 v48, v43;
	v12 =	vmul.f32 v47, v12;
	v47 =	vld [tilespmem:s21+$0xF80];
	s2 =	sor.u32 s3, s28;
	s24 =	sadd.s32 s0, s23;
	s1 =	sshra.s32 s1, $0x2  }
0x109: {  	v4 =	vadd.f32 v4, v49;
	v3 =	vmul.f32 v3, v0;
	(xrf2) =	vadd.scan.msk.f32 $0xffff, v6;
	v6 =	vbroadcast v31, $0xF;
	s2 =	sshra.s32 s2, $0x2;
	v52 =	vld [tilespmem:s24+$0x8F80];
	s1 =	sadd.s32 s0, s1  }
0x10a: {  	v59 =	vmul.f32 v60, v1;
	v60 =	vadd.f32 v54, v53;
	v8 =	vmul.f32 v36, v62;
	(xrf2) =	vadd.scan.msk.f32 $0xffff, v55;
	s0 =	sadd.s32 s0, s2;
	v62 =	vld [tilespmem:s1+$0xF80]  }
0x10b: {  	v27 =	vmul.f32 v15, v1;
	v45 =	vmul.f32 v63, v61;
	v63 =	vadd.f32 v57, v56;
	(xrf2) =	vadd.scan.msk.f32 $0xffff, v4;
	v23 =	vld [tilespmem:s0+$0x8F80]  }
0x10c: {  	v24 =	vadd.f32 v59, v58;
	v29 =	vmul.f32 v40, v1;
	(xrf2) =	vadd.scan.msk.f32 $0xffff, v60;
	v26 =	vmul.f32 v12, v0  }
0x10d: {  	v3 =	vadd.f32 v21, v3;
	v51 =	vmul.f32 v38, v37;
	(xrf2) =	vadd.scan.msk.f32 $0xffff, v63;
	v61 =	vmul.f32 v46, v41  }
0x10e: {  	v11 =	vmul.f32 v45, v0;
	v8 =	vmul.f32 v8, v1;
	(xrf2) =	vadd.scan.msk.f32 $0xffff, v24;
	v30 =	vadd.f32 v27, v26  }
0x10f: {  	v32, _, _ =	vpop (xrf2);
	v33 =	vmul.f32 v51, v0;
	(xrf2) =	vadd.scan.msk.f32 $0xffff, v3;
	v3 =	vadd.f32 v29, v28;
	v9 =	vmul.f32 v61, v1  }
0x110: {  	v36, _, _ =	vpop (xrf2);
	v34 =	vadd.f32 v8, v11;
	(xrf2) =	vadd.scan.msk.f32 $0xffff, v30;
	v22 =	vmul.f32 v52, v47;
	v35 =	vmul.f32 v23, v62  }
0x111: {  	v37 =	vbroadcast v36, $0xF;
	(xrf2) =	vadd.scan.msk.f32 $0xffff, v3;
	v3 =	vbroadcast v32, $0xF;
	v7 =	vadd.f32 v9, v33  }
0x112: {  	v38, _, _ =	vpop (xrf2);
	(xrf2) =	vadd.scan.msk.f32 $0xffff, v34;
	v39 =	vmul.f32 v22, v0;
	v8 =	vmul.f32 v35, v1  }
0x113: {  	v40 =	vbroadcast v38, $0xF;
	v41, _, _ =	vpop (xrf2);
	v3 =	vsel vm0, v6, v3;
	(xrf2) =	vadd.scan.msk.f32 $0xffff, v7  }
0x114: {  	v43 =	vbroadcast v41, $0xF;
	v42, _, _ =	vpop (xrf2);
	v3 =	vsel vm1, v3, v37;
	v5 =	vadd.f32 v8, v39  }
0x115: {  	v44, _, _ =	vpop (xrf2);
	v45 =	vbroadcast v42, $0xF;
	v3 =	vsel vm2, v3, v40  }
0x116: {  	v46 =	vbroadcast v44, $0xF;
	v47, _, _ =	vpop (xrf2);
	v3 =	vsel vm3, v3, v43;
	(xrf2) =	vadd.scan.msk.f32 $0xffff, v5  }
0x117: {  	v48, _, _ =	vpop (xrf2);
	v49 =	vbroadcast v47, $0xF;
	v3 =	vsel vm4, v3, v45  }
0x118: {  	v50, _, _ =	vpop (xrf2);
	v51 =	vbroadcast v48, $0xF;
	v3 =	vsel vm5, v3, v46  }
0x119: {  	v52, _, _ =	vpop (xrf2);
	v53 =	vbroadcast v50, $0xF;
	v3 =	vsel vm6, v3, v49  }
0x11a: {  	v55 =	vbroadcast v52, $0xF;
	v54, _, _ =	vpop (xrf2);
	v3 =	vsel vm7, v3, v51  }
0x11b: {  	v56, _, _ =	vpop (xrf2);
	v3 =	vsel vm8, v3, v53;
	v57 =	vbroadcast v54, $0xF  }
0x11c: {  	v58, _, _ =	vpop (xrf2);
	v3 =	vsel vm9, v3, v55;
	v59 =	vbroadcast v56, $0xF  }
0x11d: {  	v3 =	vsel vm10, v3, v57;
	v61 =	vbroadcast v58, $0xF;
	v60, _, _ =	vpop (xrf2)  }
0x11e: {  	v3 =	vsel vm11, v3, v59;
	v62 =	vbroadcast v60, $0xF  }
0x11f: {  	v3 =	vsel vm12, v3, v61  }
0x120: {  	v3 =	vsel vm13, v3, v62;
	v63, _, _ =	vpop (xrf2)  }
0x121: {  	v3 =	vsel vm14, v3, v63  }
0x122: {  	v3 =	vadd.f32 v3, v2;
	_ =	sdelay $0x1  }
0x123: {  	v3 =	vsub.f32 $0.0e+00, v3;
	_ =	sdelay $0x1  }
0x124: {  	v3 =	vmul.f32 $1.442695020e+00, v3;
	_ =	sdelay $0x1  }
0x125: {  	(erf) = vpow2.f32 v3;
	_ =	sdelay $0x8  }
0x126: {  	v3 =	vpop (erf)  }
0x127: {  	v3 =	vadd.f32 $1.000000000e+00, v3;
	_ =	sdelay $0x1  }
0x128: {  	(erf) = vrcp.f32 v3;
	_ =	sdelay $0x4  }
0x129: {  	p1 =	sne.s32 s15, $0x1E000  }
.Ltmp0:
0x12a: {  	_ = 	snop;
	(pc) =	sbr.rel @p1 .LBB2_3-.Ltmp0, $4  }
0x12b: {  	s30 =	rddreg [dreg:$0xf]  }
0x12c: {  	s29 =	rddreg [dreg:$0xe]  }
0x12d: {  	s15 =	sadd.s32 $0x2000, s15;
	s31 =	rddreg [dreg:$0x10];
	v3 =	vpop (erf)  }
0x12e: {  	s2 =	sadd.s32 $0x10, s30;
	s1 =	sadd.s32 $0x10, s29;
	s0 =	sadd.s32 $0x10, s31;
	[tilespmem:s31+$0x0] =	vst v3  }
.Ltmp1:
0x12f: {  	(pc) =	sbr.rel @p0 .LBB2_2-.Ltmp1, $2  }
0x130: {  	_ =	sdelay $0x2  }
0x131: {  	s0 =	simm.s32 $0x100;
	p1 =	por $0x0, $0x0  }
0x132: {  	s5 =	simm.s32 $0x0;
	s0 =	rddreg [dreg:$0xb];
	s1 =	simm.s32 $0x10900  }
0x133: {  	[hbm4b:s0+s5] =	stream.linear.scatter [tilespmem:s1], [sflag:$0x2], $0x200, $0x38;
	[tilespmem:$0x10B00] =	vst v63  }
0x134: {  	s1 =	simm.s32 $0x2  }
0x135: {  	_ =	swait.ge [sflag:s1], $0x200  }
0x136: {  	s2 =	rddreg [dreg:$0xd]  }
0x137: {  	s31 =	rddreg [dreg:$0xc];
	s2 =	sadd.s32 $0x1, s2  }
0x138: {  	p0 =	sne.s32 s2, s31  }
.Ltmp2:
0x139: {  	_ = 	snop;
	(pc) =	sbr.rel @p0 .LBB2_1-.Ltmp2, $3  }
0x13a: {  	_ =	sdelay $0x1  }
0x13b: {  	[sflag:s1] =	ssyncset.done $0x0  }
0x13c: {  	[sflag:s1] =	ssyncadd.s32 $0xFFFFFE00  }
0x13d: {  	_ =	sfence.sel $0x180000  }
0x13e: {  	[bflag:$0x0] =	sbarrier.arrive $0xFFFF  }
0x13f: {  	_ =	strace $0x90000047  }
0x140: {  	s0 =	stileid.u32;
	[bflag:$0x2] =	sbarrier.arrive $0xFFFF  }
0x141: {  	p0 =	sne.s32 s0, $0x0;
	s0 =	rddreg [dreg:$0x3]  }
0x142: {  	s0 =	sadd.s32 @!p0 $0x100000, s0  }
0x143: {  	[sflag:s0] =	ssyncadd.tile.s32 @!p0 $0x1;
	_ =	shalt  }
.Lfunc_end2:
_tile_overlayer_lowered:
.L_overlay_start_2:
0x144: {  	(tag) =	ssettag $0x2  }
0x145: {  	s0 =	rddreg [dreg:$0x0];
	s2 =	stileid.u32  }
0x146: {  	s1 =	rddreg [dreg:$0x1];
	p0 =	sne.s32 s2, $0x0  }
0x147: {  	s3 =	rddreg [dreg:$0x2];
	[bflag:$0x3] =	sbarrier.arrive $0xFFFF;
	s2 =	simm.s32 @!p0 $0x1C02  }
0x148: {  	[timem:s3], [sflag:s2] =	dma.local @!p0 [hbm:s0], s1  }
0x149: {  	s0 =	simm.s32 @!p0 $0x2  }
0x14a: {  	_ =	swait.ge @!p0 [sflag:s0], s1  }
0x14b: {  	s1 =	ssub.s32 @!p0 $0x0, s1;
	[sflag:s0] =	ssyncset.done @!p0 $0x0  }
0x14c: {  	[sflag:s0] =	ssyncadd.s32 @!p0 s1  }
0x14d: {  	[bflag:$0x3] =	sbarrier.arrive $0xFFFF  }
0x14e: {  	_ =	shalt  }

</sc_bundles>
